<compile_context>
chip_gen: v7x
topology: tpu7x:2x2x1
jax: 0.10.2.dev20260603
libtpu: 0.0.44.dev20260713+nightly
codegen_flags: <defaults>
</compile_context>

<pallas_src>
import functools

import jax
import jax.numpy as jnp
from jax import lax
from jax.experimental import pallas as pl
from jax.experimental.pallas import tpu as pltpu
from jax.experimental.pallas import tpu_sc as plsc

_B = 64
_N = 8192
_L = 16
_NV = _N // _L
_U = 16
_NC = 2
_NS = 16
_ROWS_PER_W = _B // (_NC * _NS)
_NEG = -1e30

_mesh = plsc.VectorSubcoreMesh(core_axis_name="c", subcore_axis_name="s")


@functools.partial(
    pl.kernel,
    out_type=jax.ShapeDtypeStruct((_B, _N), jnp.float32),
    mesh=_mesh,
    scratch_types=[
        pltpu.VMEM((_N,), jnp.float32),
        pltpu.VMEM((_N,), jnp.float32),
        pltpu.VMEM((_N + _L,), jnp.float32),
        pltpu.SemaphoreType.DMA,
        pltpu.SemaphoreType.DMA,
        pltpu.SemaphoreType.DMA,
        pltpu.SemaphoreType.DMA,
    ],
    compiler_params=pltpu.CompilerParams(needs_layout_passes=False),
)
def _sparsemax_sc(x_hbm, out_hbm, row_v0, row_v1, act_v, sin0, sin1, sout0, sout1):
    wid = lax.axis_index("s") * _NC + lax.axis_index("c")
    row0 = wid * _ROWS_PER_W

    row_bufs = [row_v0, row_v1]
    in_cps = [
        pltpu.async_copy(x_hbm.at[row0 + r], row_bufs[r], sem)
        for r, sem in ((0, sin0), (1, sin1))
    ]
    out_sems = [sout0, sout1]
    out_cps = []

    for r in range(_ROWS_PER_W):
        row_v = row_bufs[r]
        in_cps[r].wait()

        def max_body(i, accs):
            base = i * (_L * _U)
            return tuple(
                jnp.maximum(a, row_v[pl.ds(base + j * _L, _L)])
                for j, a in enumerate(accs)
            )

        accs = lax.fori_loop(
            0, _NV // _U, max_body,
            tuple(jnp.full((_L,), _NEG, jnp.float32) for _ in range(_U)),
        )
        m16 = accs[0]
        for a in accs[1:]:
            m16 = jnp.maximum(m16, a)
        m = jnp.max(m16)
        lo0 = m - 1.0

        def compact_body(i, n):
            base = i * (_L * _U)
            vs = [row_v[pl.ds(base + j * _L, _L)] for j in range(_U)]
            msks = [v > lo0 for v in vs]
            cnts = [plsc.all_reduce_population_count(k)[0] for k in msks]
            for v, msk, cnt in zip(vs, msks, cnts):
                plsc.store_compressed(act_v.at[pl.ds(n, _L)], v, mask=msk)
                n = n + cnt
            return n

        n_act = lax.fori_loop(0, _NV // _U, compact_body, jnp.int32(0))
        act_v[pl.ds(n_act, _L)] = jnp.full((_L,), _NEG, jnp.float32)
        nv = (n_act + _L - 1) // _L

        def mic_cond(st):
            changed, it, _, _ = st
            return changed & (it < jnp.int32(512))

        def mic_body(st):
            _, it, k_old, tau_old = st

            def scan_body(i, c):
                kk, ss = c
                v = act_v[pl.ds(i * _L, _L)]
                msk = v > tau_old
                kk = kk + plsc.all_reduce_population_count(msk)
                ss = ss + jnp.where(msk, v, 0.0)
                return kk, ss

            k_v, s_v = lax.fori_loop(
                0, nv, scan_body,
                (jnp.zeros((_L,), jnp.int32), jnp.zeros((_L,), jnp.float32)),
            )
            tau = lax.broadcast(jnp.sum(s_v) - 1.0, (_L,)) / k_v.astype(jnp.float32)
            changed = jnp.any(k_v != k_old)
            return changed, it + 1, k_v, tau

        _, _, _, tau = lax.while_loop(
            mic_cond, mic_body,
            (jnp.bool_(True), jnp.int32(0), jnp.zeros((_L,), jnp.int32),
             lax.broadcast(lo0, (_L,))),
        )

        def out_body(i, carry):
            base = i * (_L * _U)
            for j in range(_U):
                sl = pl.ds(base + j * _L, _L)
                row_v[sl] = jnp.maximum(row_v[sl] - tau, 0.0)
            return carry

        lax.fori_loop(0, _NV // _U, out_body, jnp.int32(0))
        out_cps.append(pltpu.async_copy(row_v, out_hbm.at[row0 + r], out_sems[r]))

    for cp in out_cps:
        cp.wait()


def kernel(input):
    return _sparsemax_sc(input)

# --- scband reference (transcript-rebuilt; emitter-appended) ---
"""Pipeline reference for scband-sparsemax-86242943303820 (READ-ONLY COPY).

The authoritative reference and input builder live on the scoring server;
editing this copy changes nothing except your own understanding.
"""

import jax, jax.numpy as jnp
import numpy as np


def setup_inputs(seed: int = 0) -> dict:
    key = jax.random.key(seed)
    x = jax.random.normal(key, (64, 8192), dtype=jnp.float32)
    return {"input": x}


def reference(input):
    # Faithful sparsemax over the last dimension (torch module with dim=-1
    # reduces to sparsemax along the last axis for a 2D [B, N] tensor).
    x = input
    n = x.shape[-1]
    x = x - jnp.max(x, axis=-1, keepdims=True)
    # sort descending along last dim
    zs = jnp.flip(jnp.sort(x, axis=-1), axis=-1)
    rng = jnp.arange(1, n + 1, dtype=x.dtype).reshape((1, n))
    bound = 1.0 + rng * zs
    cumulative_sum_zs = jnp.cumsum(zs, axis=-1)
    is_gt = (bound > cumulative_sum_zs).astype(x.dtype)
    k = jnp.max(is_gt * rng, axis=-1, keepdims=True)
    zs_sparse = is_gt * zs
    taus = (jnp.sum(zs_sparse, axis=-1, keepdims=True) - 1.0) / k
    output = jnp.maximum(jnp.zeros_like(x), x - taus)
    return output

if __name__ == "__main__":
    import jax
    _d = setup_inputs()
    print(jax.jit(kernel)(*tuple(_d.values())))

</pallas_src>

<mosaic_0001>
#map = affine_map<(d0, d1) -> (0, 0)>
module attributes {stable_mosaic.version = 14 : i64} {
  func.func @_sparsemax_sc(%arg0: i32, %arg1: i32, %arg2: memref<64x8192xf32, #tpu.memory_space<hbm>>, %arg3: memref<64x8192xf32, #tpu.memory_space<hbm>>, %arg4: memref<8192xf32, #tpu.memory_space<vmem>>, %arg5: memref<8192xf32, #tpu.memory_space<vmem>>, %arg6: memref<8208xf32, #tpu.memory_space<vmem>>, %arg7: memref<!tpu.dma_semaphore, #tpu.memory_space<semaphore_mem>>, %arg8: memref<!tpu.dma_semaphore, #tpu.memory_space<semaphore_mem>>, %arg9: memref<!tpu.dma_semaphore, #tpu.memory_space<semaphore_mem>>, %arg10: memref<!tpu.dma_semaphore, #tpu.memory_space<semaphore_mem>>) attributes {dimension_semantics = [#tpu.dimension_semantics<core_parallel>, #tpu.dimension_semantics<subcore_parallel>], iteration_bounds = array<i64: 2, 16>, scalar_prefetch = 0 : i64, scratch_operands = 7 : i64, tpu.core_type = #tpu.core_type<sc_vector_subcore>, window_params = [{transform_indices = #map}, {transform_indices = #map}]} {
    %mul3A = arith.constant 2 : i32
    %mul3A_0 = arith.muli %arg1, %mul3A : i32
    %add3A = arith.addi %mul3A_0, %arg0 : i32
    %mul3A_1 = arith.constant 2 : i32
    %mul3A_2 = arith.muli %add3A, %mul3A_1 : i32
    %add3A_3 = arith.constant 0 : i32
    %add3A_4 = arith.addi %mul3A_2, %add3A_3 : i32
    %dma_start3A = arith.constant 0 : i32
    %dma_start3A_5 = tpu.memref_slice %arg2[%add3A_4, %dma_start3A] : memref<64x8192xf32, #tpu.memory_space<hbm>> -> memref<1x8192xf32, #tpu.memory_space<hbm>>
    %dma_start3A_6 = tpu.memref_squeeze %dma_start3A_5 : memref<1x8192xf32, #tpu.memory_space<hbm>> -> memref<8192xf32, #tpu.memory_space<hbm>>
    %dma_start3A_7 = arith.constant 0 : i32
    %dma_start3A_8 = tpu.memref_slice %arg2[%add3A_4, %dma_start3A_7] : memref<64x8192xf32, #tpu.memory_space<hbm>> -> memref<1x8192xf32, #tpu.memory_space<hbm>>
    %dma_start3A_9 = tpu.memref_squeeze %dma_start3A_8 : memref<1x8192xf32, #tpu.memory_space<hbm>> -> memref<8192xf32, #tpu.memory_space<hbm>>
    tpu.enqueue_dma source(%dma_start3A_9 : memref<8192xf32, #tpu.memory_space<hbm>>) target(%arg4 : memref<8192xf32, #tpu.memory_space<vmem>>) target_semaphore(%arg7 : memref<!tpu.dma_semaphore, #tpu.memory_space<semaphore_mem>>)
    %add3A_10 = arith.constant 1 : i32
    %add3A_11 = arith.addi %mul3A_2, %add3A_10 : i32
    %dma_start3A_12 = arith.constant 0 : i32
    %dma_start3A_13 = tpu.memref_slice %arg2[%add3A_11, %dma_start3A_12] : memref<64x8192xf32, #tpu.memory_space<hbm>> -> memref<1x8192xf32, #tpu.memory_space<hbm>>
    %dma_start3A_14 = tpu.memref_squeeze %dma_start3A_13 : memref<1x8192xf32, #tpu.memory_space<hbm>> -> memref<8192xf32, #tpu.memory_space<hbm>>
    %dma_start3A_15 = arith.constant 0 : i32
    %dma_start3A_16 = tpu.memref_slice %arg2[%add3A_11, %dma_start3A_15] : memref<64x8192xf32, #tpu.memory_space<hbm>> -> memref<1x8192xf32, #tpu.memory_space<hbm>>
    %dma_start3A_17 = tpu.memref_squeeze %dma_start3A_16 : memref<1x8192xf32, #tpu.memory_space<hbm>> -> memref<8192xf32, #tpu.memory_space<hbm>>
    tpu.enqueue_dma source(%dma_start3A_17 : memref<8192xf32, #tpu.memory_space<hbm>>) target(%arg5 : memref<8192xf32, #tpu.memory_space<vmem>>) target_semaphore(%arg8 : memref<!tpu.dma_semaphore, #tpu.memory_space<semaphore_mem>>)
    %dma_wait3A = arith.constant 0 : i32
    %dma_wait3A_18 = tpu.memref_slice %arg2[%add3A_4, %dma_wait3A] : memref<64x8192xf32, #tpu.memory_space<hbm>> -> memref<1x8192xf32, #tpu.memory_space<hbm>>
    %dma_wait3A_19 = tpu.memref_squeeze %dma_wait3A_18 : memref<1x8192xf32, #tpu.memory_space<hbm>> -> memref<8192xf32, #tpu.memory_space<hbm>>
    %dma_wait3A_20 = arith.constant 0 : i32
    %dma_wait3A_21 = tpu.memref_slice %arg2[%add3A_4, %dma_wait3A_20] : memref<64x8192xf32, #tpu.memory_space<hbm>> -> memref<1x8192xf32, #tpu.memory_space<hbm>>
    %dma_wait3A_22 = tpu.memref_squeeze %dma_wait3A_21 : memref<1x8192xf32, #tpu.memory_space<hbm>> -> memref<8192xf32, #tpu.memory_space<hbm>>
    tpu.wait_dma2 semaphore(%arg7 : memref<!tpu.dma_semaphore, #tpu.memory_space<semaphore_mem>>) src(%dma_wait3A_22 : memref<8192xf32, #tpu.memory_space<hbm>>) dst(%arg4 : memref<8192xf32, #tpu.memory_space<vmem>>)
    %broadcast_in_dim3A = arith.constant -1.000000e+30 : f32
    %broadcast_in_dim3A_23 = vector.broadcast %broadcast_in_dim3A : f32 to vector<16xf32>
    %broadcast_in_dim3A_24 = arith.constant -1.000000e+30 : f32
    %broadcast_in_dim3A_25 = vector.broadcast %broadcast_in_dim3A_24 : f32 to vector<16xf32>
    %broadcast_in_dim3A_26 = arith.constant -1.000000e+30 : f32
    %broadcast_in_dim3A_27 = vector.broadcast %broadcast_in_dim3A_26 : f32 to vector<16xf32>
    %broadcast_in_dim3A_28 = arith.constant -1.000000e+30 : f32
    %broadcast_in_dim3A_29 = vector.broadcast %broadcast_in_dim3A_28 : f32 to vector<16xf32>
    %broadcast_in_dim3A_30 = arith.constant -1.000000e+30 : f32
    %broadcast_in_dim3A_31 = vector.broadcast %broadcast_in_dim3A_30 : f32 to vector<16xf32>
    %broadcast_in_dim3A_32 = arith.constant -1.000000e+30 : f32
    %broadcast_in_dim3A_33 = vector.broadcast %broadcast_in_dim3A_32 : f32 to vector<16xf32>
    %broadcast_in_dim3A_34 = arith.constant -1.000000e+30 : f32
    %broadcast_in_dim3A_35 = vector.broadcast %broadcast_in_dim3A_34 : f32 to vector<16xf32>
    %broadcast_in_dim3A_36 = arith.constant -1.000000e+30 : f32
    %broadcast_in_dim3A_37 = vector.broadcast %broadcast_in_dim3A_36 : f32 to vector<16xf32>
    %broadcast_in_dim3A_38 = arith.constant -1.000000e+30 : f32
    %broadcast_in_dim3A_39 = vector.broadcast %broadcast_in_dim3A_38 : f32 to vector<16xf32>
    %broadcast_in_dim3A_40 = arith.constant -1.000000e+30 : f32
    %broadcast_in_dim3A_41 = vector.broadcast %broadcast_in_dim3A_40 : f32 to vector<16xf32>
    %broadcast_in_dim3A_42 = arith.constant -1.000000e+30 : f32
    %broadcast_in_dim3A_43 = vector.broadcast %broadcast_in_dim3A_42 : f32 to vector<16xf32>
    %broadcast_in_dim3A_44 = arith.constant -1.000000e+30 : f32
    %broadcast_in_dim3A_45 = vector.broadcast %broadcast_in_dim3A_44 : f32 to vector<16xf32>
    %broadcast_in_dim3A_46 = arith.constant -1.000000e+30 : f32
    %broadcast_in_dim3A_47 = vector.broadcast %broadcast_in_dim3A_46 : f32 to vector<16xf32>
    %broadcast_in_dim3A_48 = arith.constant -1.000000e+30 : f32
    %broadcast_in_dim3A_49 = vector.broadcast %broadcast_in_dim3A_48 : f32 to vector<16xf32>
    %broadcast_in_dim3A_50 = arith.constant -1.000000e+30 : f32
    %broadcast_in_dim3A_51 = vector.broadcast %broadcast_in_dim3A_50 : f32 to vector<16xf32>
    %broadcast_in_dim3A_52 = arith.constant -1.000000e+30 : f32
    %broadcast_in_dim3A_53 = vector.broadcast %broadcast_in_dim3A_52 : f32 to vector<16xf32>
    %scan3A = arith.constant 0 : i32
    %scan3A_54 = arith.constant 32 : i32
    %scan3A_55 = arith.addi %scan3A, %scan3A_54 : i32
    %scan3A_56 = arith.constant 1 : i32
    %scan3A_57:16 = scf.for %scan3A_263 = %scan3A to %scan3A_55 step %scan3A_56 iter_args(%scan3A_264 = %broadcast_in_dim3A_23, %scan3A_265 = %broadcast_in_dim3A_25, %scan3A_266 = %broadcast_in_dim3A_27, %scan3A_267 = %broadcast_in_dim3A_29, %scan3A_268 = %broadcast_in_dim3A_31, %scan3A_269 = %broadcast_in_dim3A_33, %scan3A_270 = %broadcast_in_dim3A_35, %scan3A_271 = %broadcast_in_dim3A_37, %scan3A_272 = %broadcast_in_dim3A_39, %scan3A_273 = %broadcast_in_dim3A_41, %scan3A_274 = %broadcast_in_dim3A_43, %scan3A_275 = %broadcast_in_dim3A_45, %scan3A_276 = %broadcast_in_dim3A_47, %scan3A_277 = %broadcast_in_dim3A_49, %scan3A_278 = %broadcast_in_dim3A_51, %scan3A_279 = %broadcast_in_dim3A_53) -> (vector<16xf32>, vector<16xf32>, vector<16xf32>, vector<16xf32>, vector<16xf32>, vector<16xf32>, vector<16xf32>, vector<16xf32>, vector<16xf32>, vector<16xf32>, vector<16xf32>, vector<16xf32>, vector<16xf32>, vector<16xf32>, vector<16xf32>, vector<16xf32>)  : i32 {
      %mul3A_280 = arith.constant 256 : i32
      %mul3A_281 = arith.muli %scan3A_263, %mul3A_280 : i32
      %add3A_282 = arith.constant 0 : i32
      %add3A_283 = arith.addi %mul3A_281, %add3A_282 : i32
      %get3A = arith.index_cast %add3A_283 : i32 to index
      %get3A_284 = tpu.vector_load %arg4[%get3A] {strides = array<i32>} : memref<8192xf32, #tpu.memory_space<vmem>>, vector<16xf32>,
      %max3A_285 = arith.maximumf %scan3A_264, %get3A_284 : vector<16xf32>
      %add3A_286 = arith.constant 16 : i32
      %add3A_287 = arith.addi %mul3A_281, %add3A_286 : i32
      %get3A_288 = arith.index_cast %add3A_287 : i32 to index
      %get3A_289 = tpu.vector_load %arg4[%get3A_288] {strides = array<i32>} : memref<8192xf32, #tpu.memory_space<vmem>>, vector<16xf32>,
      %max3A_290 = arith.maximumf %scan3A_265, %get3A_289 : vector<16xf32>
      %add3A_291 = arith.constant 32 : i32
      %add3A_292 = arith.addi %mul3A_281, %add3A_291 : i32
      %get3A_293 = arith.index_cast %add3A_292 : i32 to index
      %get3A_294 = tpu.vector_load %arg4[%get3A_293] {strides = array<i32>} : memref<8192xf32, #tpu.memory_space<vmem>>, vector<16xf32>,
      %max3A_295 = arith.maximumf %scan3A_266, %get3A_294 : vector<16xf32>
      %add3A_296 = arith.constant 48 : i32
      %add3A_297 = arith.addi %mul3A_281, %add3A_296 : i32
      %get3A_298 = arith.index_cast %add3A_297 : i32 to index
      %get3A_299 = tpu.vector_load %arg4[%get3A_298] {strides = array<i32>} : memref<8192xf32, #tpu.memory_space<vmem>>, vector<16xf32>,
      %max3A_300 = arith.maximumf %scan3A_267, %get3A_299 : vector<16xf32>
      %add3A_301 = arith.constant 64 : i32
      %add3A_302 = arith.addi %mul3A_281, %add3A_301 : i32
      %get3A_303 = arith.index_cast %add3A_302 : i32 to index
      %get3A_304 = tpu.vector_load %arg4[%get3A_303] {strides = array<i32>} : memref<8192xf32, #tpu.memory_space<vmem>>, vector<16xf32>,
      %max3A_305 = arith.maximumf %scan3A_268, %get3A_304 : vector<16xf32>
      %add3A_306 = arith.constant 80 : i32
      %add3A_307 = arith.addi %mul3A_281, %add3A_306 : i32
      %get3A_308 = arith.index_cast %add3A_307 : i32 to index
      %get3A_309 = tpu.vector_load %arg4[%get3A_308] {strides = array<i32>} : memref<8192xf32, #tpu.memory_space<vmem>>, vector<16xf32>,
      %max3A_310 = arith.maximumf %scan3A_269, %get3A_309 : vector<16xf32>
      %add3A_311 = arith.constant 96 : i32
      %add3A_312 = arith.addi %mul3A_281, %add3A_311 : i32
      %get3A_313 = arith.index_cast %add3A_312 : i32 to index
      %get3A_314 = tpu.vector_load %arg4[%get3A_313] {strides = array<i32>} : memref<8192xf32, #tpu.memory_space<vmem>>, vector<16xf32>,
      %max3A_315 = arith.maximumf %scan3A_270, %get3A_314 : vector<16xf32>
      %add3A_316 = arith.constant 112 : i32
      %add3A_317 = arith.addi %mul3A_281, %add3A_316 : i32
      %get3A_318 = arith.index_cast %add3A_317 : i32 to index
      %get3A_319 = tpu.vector_load %arg4[%get3A_318] {strides = array<i32>} : memref<8192xf32, #tpu.memory_space<vmem>>, vector<16xf32>,
      %max3A_320 = arith.maximumf %scan3A_271, %get3A_319 : vector<16xf32>
      %add3A_321 = arith.constant 128 : i32
      %add3A_322 = arith.addi %mul3A_281, %add3A_321 : i32
      %get3A_323 = arith.index_cast %add3A_322 : i32 to index
      %get3A_324 = tpu.vector_load %arg4[%get3A_323] {strides = array<i32>} : memref<8192xf32, #tpu.memory_space<vmem>>, vector<16xf32>,
      %max3A_325 = arith.maximumf %scan3A_272, %get3A_324 : vector<16xf32>
      %add3A_326 = arith.constant 144 : i32
      %add3A_327 = arith.addi %mul3A_281, %add3A_326 : i32
      %get3A_328 = arith.index_cast %add3A_327 : i32 to index
      %get3A_329 = tpu.vector_load %arg4[%get3A_328] {strides = array<i32>} : memref<8192xf32, #tpu.memory_space<vmem>>, vector<16xf32>,
      %max3A_330 = arith.maximumf %scan3A_273, %get3A_329 : vector<16xf32>
      %add3A_331 = arith.constant 160 : i32
      %add3A_332 = arith.addi %mul3A_281, %add3A_331 : i32
      %get3A_333 = arith.index_cast %add3A_332 : i32 to index
      %get3A_334 = tpu.vector_load %arg4[%get3A_333] {strides = array<i32>} : memref<8192xf32, #tpu.memory_space<vmem>>, vector<16xf32>,
      %max3A_335 = arith.maximumf %scan3A_274, %get3A_334 : vector<16xf32>
      %add3A_336 = arith.constant 176 : i32
      %add3A_337 = arith.addi %mul3A_281, %add3A_336 : i32
      %get3A_338 = arith.index_cast %add3A_337 : i32 to index
      %get3A_339 = tpu.vector_load %arg4[%get3A_338] {strides = array<i32>} : memref<8192xf32, #tpu.memory_space<vmem>>, vector<16xf32>,
      %max3A_340 = arith.maximumf %scan3A_275, %get3A_339 : vector<16xf32>
      %add3A_341 = arith.constant 192 : i32
      %add3A_342 = arith.addi %mul3A_281, %add3A_341 : i32
      %get3A_343 = arith.index_cast %add3A_342 : i32 to index
      %get3A_344 = tpu.vector_load %arg4[%get3A_343] {strides = array<i32>} : memref<8192xf32, #tpu.memory_space<vmem>>, vector<16xf32>,
      %max3A_345 = arith.maximumf %scan3A_276, %get3A_344 : vector<16xf32>
      %add3A_346 = arith.constant 208 : i32
      %add3A_347 = arith.addi %mul3A_281, %add3A_346 : i32
      %get3A_348 = arith.index_cast %add3A_347 : i32 to index
      %get3A_349 = tpu.vector_load %arg4[%get3A_348] {strides = array<i32>} : memref<8192xf32, #tpu.memory_space<vmem>>, vector<16xf32>,
      %max3A_350 = arith.maximumf %scan3A_277, %get3A_349 : vector<16xf32>
      %add3A_351 = arith.constant 224 : i32
      %add3A_352 = arith.addi %mul3A_281, %add3A_351 : i32
      %get3A_353 = arith.index_cast %add3A_352 : i32 to index
      %get3A_354 = tpu.vector_load %arg4[%get3A_353] {strides = array<i32>} : memref<8192xf32, #tpu.memory_space<vmem>>, vector<16xf32>,
      %max3A_355 = arith.maximumf %scan3A_278, %get3A_354 : vector<16xf32>
      %add3A_356 = arith.constant 240 : i32
      %add3A_357 = arith.addi %mul3A_281, %add3A_356 : i32
      %get3A_358 = arith.index_cast %add3A_357 : i32 to index
      %get3A_359 = tpu.vector_load %arg4[%get3A_358] {strides = array<i32>} : memref<8192xf32, #tpu.memory_space<vmem>>, vector<16xf32>,
      %max3A_360 = arith.maximumf %scan3A_279, %get3A_359 : vector<16xf32>
      scf.yield %max3A_285, %max3A_290, %max3A_295, %max3A_300, %max3A_305, %max3A_310, %max3A_315, %max3A_320, %max3A_325, %max3A_330, %max3A_335, %max3A_340, %max3A_345, %max3A_350, %max3A_355, %max3A_360 : vector<16xf32>, vector<16xf32>, vector<16xf32>, vector<16xf32>, vector<16xf32>, vector<16xf32>, vector<16xf32>, vector<16xf32>, vector<16xf32>, vector<16xf32>, vector<16xf32>, vector<16xf32>, vector<16xf32>, vector<16xf32>, vector<16xf32>, vector<16xf32>
    }
    %scan3A_58 = arith.constant 32 : i32
    %max3A = arith.maximumf %scan3A_57#0, %scan3A_57#1 : vector<16xf32>
    %max3A_59 = arith.maximumf %max3A, %scan3A_57#2 : vector<16xf32>
    %max3A_60 = arith.maximumf %max3A_59, %scan3A_57#3 : vector<16xf32>
    %max3A_61 = arith.maximumf %max3A_60, %scan3A_57#4 : vector<16xf32>
    %max3A_62 = arith.maximumf %max3A_61, %scan3A_57#5 : vector<16xf32>
    %max3A_63 = arith.maximumf %max3A_62, %scan3A_57#6 : vector<16xf32>
    %max3A_64 = arith.maximumf %max3A_63, %scan3A_57#7 : vector<16xf32>
    %max3A_65 = arith.maximumf %max3A_64, %scan3A_57#8 : vector<16xf32>
    %max3A_66 = arith.maximumf %max3A_65, %scan3A_57#9 : vector<16xf32>
    %max3A_67 = arith.maximumf %max3A_66, %scan3A_57#10 : vector<16xf32>
    %max3A_68 = arith.maximumf %max3A_67, %scan3A_57#11 : vector<16xf32>
    %max3A_69 = arith.maximumf %max3A_68, %scan3A_57#12 : vector<16xf32>
    %max3A_70 = arith.maximumf %max3A_69, %scan3A_57#13 : vector<16xf32>
    %max3A_71 = arith.maximumf %max3A_70, %scan3A_57#14 : vector<16xf32>
    %max3A_72 = arith.maximumf %max3A_71, %scan3A_57#15 : vector<16xf32>
    %reduce_max3A = arith.constant true
    %reduce_max3A_73 = vector.broadcast %reduce_max3A : i1 to vector<16xi1>
    %reduce_max3A_74 = tpu.scan <max>, %max3A_72 masked %reduce_max3A_73 : vector<16xf32>, vector<16xi1> -> vector<16xf32>
    %reduce_max3A_75 = vector.extract %reduce_max3A_74[15] : f32 from vector<16xf32>
    %sub3A = arith.constant 1.000000e+00 : f32
    %sub3A_76 = arith.subf %reduce_max3A_75, %sub3A : f32
    %scan3A_77 = arith.constant 0 : i32
    %scan3A_78 = arith.constant 0 : i32
    %scan3A_79 = arith.constant 32 : i32
    %scan3A_80 = arith.addi %scan3A_78, %scan3A_79 : i32
    %scan3A_81 = arith.constant 1 : i32
    %scan3A_82 = scf.for %scan3A_263 = %scan3A_78 to %scan3A_80 step %scan3A_81 iter_args(%scan3A_264 = %scan3A_77) -> (i32)  : i32 {
      %mul3A_265 = arith.constant 256 : i32
      %mul3A_266 = arith.muli %scan3A_263, %mul3A_265 : i32
      %add3A_267 = arith.constant 0 : i32
      %add3A_268 = arith.addi %mul3A_266, %add3A_267 : i32
      %get3A = arith.index_cast %add3A_268 : i32 to index
      %get3A_269 = tpu.vector_load %arg4[%get3A] {strides = array<i32>} : memref<8192xf32, #tpu.memory_space<vmem>>, vector<16xf32>,
      %add3A_270 = arith.constant 16 : i32
      %add3A_271 = arith.addi %mul3A_266, %add3A_270 : i32
      %get3A_272 = arith.index_cast %add3A_271 : i32 to index
      %get3A_273 = tpu.vector_load %arg4[%get3A_272] {strides = array<i32>} : memref<8192xf32, #tpu.memory_space<vmem>>, vector<16xf32>,
      %add3A_274 = arith.constant 32 : i32
      %add3A_275 = arith.addi %mul3A_266, %add3A_274 : i32
      %get3A_276 = arith.index_cast %add3A_275 : i32 to index
      %get3A_277 = tpu.vector_load %arg4[%get3A_276] {strides = array<i32>} : memref<8192xf32, #tpu.memory_space<vmem>>, vector<16xf32>,
      %add3A_278 = arith.constant 48 : i32
      %add3A_279 = arith.addi %mul3A_266, %add3A_278 : i32
      %get3A_280 = arith.index_cast %add3A_279 : i32 to index
      %get3A_281 = tpu.vector_load %arg4[%get3A_280] {strides = array<i32>} : memref<8192xf32, #tpu.memory_space<vmem>>, vector<16xf32>,
      %add3A_282 = arith.constant 64 : i32
      %add3A_283 = arith.addi %mul3A_266, %add3A_282 : i32
      %get3A_284 = arith.index_cast %add3A_283 : i32 to index
      %get3A_285 = tpu.vector_load %arg4[%get3A_284] {strides = array<i32>} : memref<8192xf32, #tpu.memory_space<vmem>>, vector<16xf32>,
      %add3A_286 = arith.constant 80 : i32
      %add3A_287 = arith.addi %mul3A_266, %add3A_286 : i32
      %get3A_288 = arith.index_cast %add3A_287 : i32 to index
      %get3A_289 = tpu.vector_load %arg4[%get3A_288] {strides = array<i32>} : memref<8192xf32, #tpu.memory_space<vmem>>, vector<16xf32>,
      %add3A_290 = arith.constant 96 : i32
      %add3A_291 = arith.addi %mul3A_266, %add3A_290 : i32
      %get3A_292 = arith.index_cast %add3A_291 : i32 to index
      %get3A_293 = tpu.vector_load %arg4[%get3A_292] {strides = array<i32>} : memref<8192xf32, #tpu.memory_space<vmem>>, vector<16xf32>,
      %add3A_294 = arith.constant 112 : i32
      %add3A_295 = arith.addi %mul3A_266, %add3A_294 : i32
      %get3A_296 = arith.index_cast %add3A_295 : i32 to index
      %get3A_297 = tpu.vector_load %arg4[%get3A_296] {strides = array<i32>} : memref<8192xf32, #tpu.memory_space<vmem>>, vector<16xf32>,
      %add3A_298 = arith.constant 128 : i32
      %add3A_299 = arith.addi %mul3A_266, %add3A_298 : i32
      %get3A_300 = arith.index_cast %add3A_299 : i32 to index
      %get3A_301 = tpu.vector_load %arg4[%get3A_300] {strides = array<i32>} : memref<8192xf32, #tpu.memory_space<vmem>>, vector<16xf32>,
      %add3A_302 = arith.constant 144 : i32
      %add3A_303 = arith.addi %mul3A_266, %add3A_302 : i32
      %get3A_304 = arith.index_cast %add3A_303 : i32 to index
      %get3A_305 = tpu.vector_load %arg4[%get3A_304] {strides = array<i32>} : memref<8192xf32, #tpu.memory_space<vmem>>, vector<16xf32>,
      %add3A_306 = arith.constant 160 : i32
      %add3A_307 = arith.addi %mul3A_266, %add3A_306 : i32
      %get3A_308 = arith.index_cast %add3A_307 : i32 to index
      %get3A_309 = tpu.vector_load %arg4[%get3A_308] {strides = array<i32>} : memref<8192xf32, #tpu.memory_space<vmem>>, vector<16xf32>,
      %add3A_310 = arith.constant 176 : i32
      %add3A_311 = arith.addi %mul3A_266, %add3A_310 : i32
      %get3A_312 = arith.index_cast %add3A_311 : i32 to index
      %get3A_313 = tpu.vector_load %arg4[%get3A_312] {strides = array<i32>} : memref<8192xf32, #tpu.memory_space<vmem>>, vector<16xf32>,
      %add3A_314 = arith.constant 192 : i32
      %add3A_315 = arith.addi %mul3A_266, %add3A_314 : i32
      %get3A_316 = arith.index_cast %add3A_315 : i32 to index
      %get3A_317 = tpu.vector_load %arg4[%get3A_316] {strides = array<i32>} : memref<8192xf32, #tpu.memory_space<vmem>>, vector<16xf32>,
      %add3A_318 = arith.constant 208 : i32
      %add3A_319 = arith.addi %mul3A_266, %add3A_318 : i32
      %get3A_320 = arith.index_cast %add3A_319 : i32 to index
      %get3A_321 = tpu.vector_load %arg4[%get3A_320] {strides = array<i32>} : memref<8192xf32, #tpu.memory_space<vmem>>, vector<16xf32>,
      %add3A_322 = arith.constant 224 : i32
      %add3A_323 = arith.addi %mul3A_266, %add3A_322 : i32
      %get3A_324 = arith.index_cast %add3A_323 : i32 to index
      %get3A_325 = tpu.vector_load %arg4[%get3A_324] {strides = array<i32>} : memref<8192xf32, #tpu.memory_space<vmem>>, vector<16xf32>,
      %add3A_326 = arith.constant 240 : i32
      %add3A_327 = arith.addi %mul3A_266, %add3A_326 : i32
      %get3A_328 = arith.index_cast %add3A_327 : i32 to index
      %get3A_329 = tpu.vector_load %arg4[%get3A_328] {strides = array<i32>} : memref<8192xf32, #tpu.memory_space<vmem>>, vector<16xf32>,
      %gt3A = vector.broadcast %sub3A_76 : f32 to vector<16xf32>
      %gt3A_330 = arith.cmpf ogt, %get3A_269, %gt3A : vector<16xf32>
      %gt3A_331 = vector.broadcast %sub3A_76 : f32 to vector<16xf32>
      %gt3A_332 = arith.cmpf ogt, %get3A_273, %gt3A_331 : vector<16xf32>
      %gt3A_333 = vector.broadcast %sub3A_76 : f32 to vector<16xf32>
      %gt3A_334 = arith.cmpf ogt, %get3A_277, %gt3A_333 : vector<16xf32>
      %gt3A_335 = vector.broadcast %sub3A_76 : f32 to vector<16xf32>
      %gt3A_336 = arith.cmpf ogt, %get3A_281, %gt3A_335 : vector<16xf32>
      %gt3A_337 = vector.broadcast %sub3A_76 : f32 to vector<16xf32>
      %gt3A_338 = arith.cmpf ogt, %get3A_285, %gt3A_337 : vector<16xf32>
      %gt3A_339 = vector.broadcast %sub3A_76 : f32 to vector<16xf32>
      %gt3A_340 = arith.cmpf ogt, %get3A_289, %gt3A_339 : vector<16xf32>
      %gt3A_341 = vector.broadcast %sub3A_76 : f32 to vector<16xf32>
      %gt3A_342 = arith.cmpf ogt, %get3A_293, %gt3A_341 : vector<16xf32>
      %gt3A_343 = vector.broadcast %sub3A_76 : f32 to vector<16xf32>
      %gt3A_344 = arith.cmpf ogt, %get3A_297, %gt3A_343 : vector<16xf32>
      %gt3A_345 = vector.broadcast %sub3A_76 : f32 to vector<16xf32>
      %gt3A_346 = arith.cmpf ogt, %get3A_301, %gt3A_345 : vector<16xf32>
      %gt3A_347 = vector.broadcast %sub3A_76 : f32 to vector<16xf32>
      %gt3A_348 = arith.cmpf ogt, %get3A_305, %gt3A_347 : vector<16xf32>
      %gt3A_349 = vector.broadcast %sub3A_76 : f32 to vector<16xf32>
      %gt3A_350 = arith.cmpf ogt, %get3A_309, %gt3A_349 : vector<16xf32>
      %gt3A_351 = vector.broadcast %sub3A_76 : f32 to vector<16xf32>
      %gt3A_352 = arith.cmpf ogt, %get3A_313, %gt3A_351 : vector<16xf32>
      %gt3A_353 = vector.broadcast %sub3A_76 : f32 to vector<16xf32>
      %gt3A_354 = arith.cmpf ogt, %get3A_317, %gt3A_353 : vector<16xf32>
      %gt3A_355 = vector.broadcast %sub3A_76 : f32 to vector<16xf32>
      %gt3A_356 = arith.cmpf ogt, %get3A_321, %gt3A_355 : vector<16xf32>
      %gt3A_357 = vector.broadcast %sub3A_76 : f32 to vector<16xf32>
      %gt3A_358 = arith.cmpf ogt, %get3A_325, %gt3A_357 : vector<16xf32>
      %gt3A_359 = vector.broadcast %sub3A_76 : f32 to vector<16xf32>
      %gt3A_360 = arith.cmpf ogt, %get3A_329, %gt3A_359 : vector<16xf32>
      %all_reduce_population_count3A = tpu.all_reduce %gt3A_330 {dim = 0 : i64, kind = #tpu.reduction_kind<sum>} : vector<16xi1> -> vector<16xi32>
      %slice3A = vector.extract_strided_slice %all_reduce_population_count3A {offsets = [0], sizes = [1], strides = [1]} : vector<16xi32> to vector<1xi32>
      %squeeze3A = vector.extract %slice3A[0] : i32 from vector<1xi32>
      %all_reduce_population_count3A_361 = tpu.all_reduce %gt3A_332 {dim = 0 : i64, kind = #tpu.reduction_kind<sum>} : vector<16xi1> -> vector<16xi32>
      %slice3A_362 = vector.extract_strided_slice %all_reduce_population_count3A_361 {offsets = [0], sizes = [1], strides = [1]} : vector<16xi32> to vector<1xi32>
      %squeeze3A_363 = vector.extract %slice3A_362[0] : i32 from vector<1xi32>
      %all_reduce_population_count3A_364 = tpu.all_reduce %gt3A_334 {dim = 0 : i64, kind = #tpu.reduction_kind<sum>} : vector<16xi1> -> vector<16xi32>
      %slice3A_365 = vector.extract_strided_slice %all_reduce_population_count3A_364 {offsets = [0], sizes = [1], strides = [1]} : vector<16xi32> to vector<1xi32>
      %squeeze3A_366 = vector.extract %slice3A_365[0] : i32 from vector<1xi32>
      %all_reduce_population_count3A_367 = tpu.all_reduce %gt3A_336 {dim = 0 : i64, kind = #tpu.reduction_kind<sum>} : vector<16xi1> -> vector<16xi32>
      %slice3A_368 = vector.extract_strided_slice %all_reduce_population_count3A_367 {offsets = [0], sizes = [1], strides = [1]} : vector<16xi32> to vector<1xi32>
      %squeeze3A_369 = vector.extract %slice3A_368[0] : i32 from vector<1xi32>
      %all_reduce_population_count3A_370 = tpu.all_reduce %gt3A_338 {dim = 0 : i64, kind = #tpu.reduction_kind<sum>} : vector<16xi1> -> vector<16xi32>
      %slice3A_371 = vector.extract_strided_slice %all_reduce_population_count3A_370 {offsets = [0], sizes = [1], strides = [1]} : vector<16xi32> to vector<1xi32>
      %squeeze3A_372 = vector.extract %slice3A_371[0] : i32 from vector<1xi32>
      %all_reduce_population_count3A_373 = tpu.all_reduce %gt3A_340 {dim = 0 : i64, kind = #tpu.reduction_kind<sum>} : vector<16xi1> -> vector<16xi32>
      %slice3A_374 = vector.extract_strided_slice %all_reduce_population_count3A_373 {offsets = [0], sizes = [1], strides = [1]} : vector<16xi32> to vector<1xi32>
      %squeeze3A_375 = vector.extract %slice3A_374[0] : i32 from vector<1xi32>
      %all_reduce_population_count3A_376 = tpu.all_reduce %gt3A_342 {dim = 0 : i64, kind = #tpu.reduction_kind<sum>} : vector<16xi1> -> vector<16xi32>
      %slice3A_377 = vector.extract_strided_slice %all_reduce_population_count3A_376 {offsets = [0], sizes = [1], strides = [1]} : vector<16xi32> to vector<1xi32>
      %squeeze3A_378 = vector.extract %slice3A_377[0] : i32 from vector<1xi32>
      %all_reduce_population_count3A_379 = tpu.all_reduce %gt3A_344 {dim = 0 : i64, kind = #tpu.reduction_kind<sum>} : vector<16xi1> -> vector<16xi32>
      %slice3A_380 = vector.extract_strided_slice %all_reduce_population_count3A_379 {offsets = [0], sizes = [1], strides = [1]} : vector<16xi32> to vector<1xi32>
      %squeeze3A_381 = vector.extract %slice3A_380[0] : i32 from vector<1xi32>
      %all_reduce_population_count3A_382 = tpu.all_reduce %gt3A_346 {dim = 0 : i64, kind = #tpu.reduction_kind<sum>} : vector<16xi1> -> vector<16xi32>
      %slice3A_383 = vector.extract_strided_slice %all_reduce_population_count3A_382 {offsets = [0], sizes = [1], strides = [1]} : vector<16xi32> to vector<1xi32>
      %squeeze3A_384 = vector.extract %slice3A_383[0] : i32 from vector<1xi32>
      %all_reduce_population_count3A_385 = tpu.all_reduce %gt3A_348 {dim = 0 : i64, kind = #tpu.reduction_kind<sum>} : vector<16xi1> -> vector<16xi32>
      %slice3A_386 = vector.extract_strided_slice %all_reduce_population_count3A_385 {offsets = [0], sizes = [1], strides = [1]} : vector<16xi32> to vector<1xi32>
      %squeeze3A_387 = vector.extract %slice3A_386[0] : i32 from vector<1xi32>
      %all_reduce_population_count3A_388 = tpu.all_reduce %gt3A_350 {dim = 0 : i64, kind = #tpu.reduction_kind<sum>} : vector<16xi1> -> vector<16xi32>
      %slice3A_389 = vector.extract_strided_slice %all_reduce_population_count3A_388 {offsets = [0], sizes = [1], strides = [1]} : vector<16xi32> to vector<1xi32>
      %squeeze3A_390 = vector.extract %slice3A_389[0] : i32 from vector<1xi32>
      %all_reduce_population_count3A_391 = tpu.all_reduce %gt3A_352 {dim = 0 : i64, kind = #tpu.reduction_kind<sum>} : vector<16xi1> -> vector<16xi32>
      %slice3A_392 = vector.extract_strided_slice %all_reduce_population_count3A_391 {offsets = [0], sizes = [1], strides = [1]} : vector<16xi32> to vector<1xi32>
      %squeeze3A_393 = vector.extract %slice3A_392[0] : i32 from vector<1xi32>
      %all_reduce_population_count3A_394 = tpu.all_reduce %gt3A_354 {dim = 0 : i64, kind = #tpu.reduction_kind<sum>} : vector<16xi1> -> vector<16xi32>
      %slice3A_395 = vector.extract_strided_slice %all_reduce_population_count3A_394 {offsets = [0], sizes = [1], strides = [1]} : vector<16xi32> to vector<1xi32>
      %squeeze3A_396 = vector.extract %slice3A_395[0] : i32 from vector<1xi32>
      %all_reduce_population_count3A_397 = tpu.all_reduce %gt3A_356 {dim = 0 : i64, kind = #tpu.reduction_kind<sum>} : vector<16xi1> -> vector<16xi32>
      %slice3A_398 = vector.extract_strided_slice %all_reduce_population_count3A_397 {offsets = [0], sizes = [1], strides = [1]} : vector<16xi32> to vector<1xi32>
      %squeeze3A_399 = vector.extract %slice3A_398[0] : i32 from vector<1xi32>
      %all_reduce_population_count3A_400 = tpu.all_reduce %gt3A_358 {dim = 0 : i64, kind = #tpu.reduction_kind<sum>} : vector<16xi1> -> vector<16xi32>
      %slice3A_401 = vector.extract_strided_slice %all_reduce_population_count3A_400 {offsets = [0], sizes = [1], strides = [1]} : vector<16xi32> to vector<1xi32>
      %squeeze3A_402 = vector.extract %slice3A_401[0] : i32 from vector<1xi32>
      %all_reduce_population_count3A_403 = tpu.all_reduce %gt3A_360 {dim = 0 : i64, kind = #tpu.reduction_kind<sum>} : vector<16xi1> -> vector<16xi32>
      %slice3A_404 = vector.extract_strided_slice %all_reduce_population_count3A_403 {offsets = [0], sizes = [1], strides = [1]} : vector<16xi32> to vector<1xi32>
      %squeeze3A_405 = vector.extract %slice3A_404[0] : i32 from vector<1xi32>
      %swap3A_406 = arith.index_cast %scan3A_264 : i32 to index
      %swap3A_407 = tpu.vector_load %arg6[%swap3A_406] masked %gt3A_330 {strides = array<i32>} : memref<8208xf32, #tpu.memory_space<vmem>>, vector<16xf32>, vector<16xi1>
      tpu.vector_store %arg6[%swap3A_406], %get3A_269 masked %gt3A_330 {strides = array<i32>} : memref<8208xf32, #tpu.memory_space<vmem>>, vector<16xf32>, vector<16xi1>
      %add3A_408 = arith.addi %scan3A_264, %squeeze3A : i32
      %swap3A_409 = arith.index_cast %add3A_408 : i32 to index
      %swap3A_410 = tpu.vector_load %arg6[%swap3A_409] masked %gt3A_332 {strides = array<i32>} : memref<8208xf32, #tpu.memory_space<vmem>>, vector<16xf32>, vector<16xi1>
      tpu.vector_store %arg6[%swap3A_409], %get3A_273 masked %gt3A_332 {strides = array<i32>} : memref<8208xf32, #tpu.memory_space<vmem>>, vector<16xf32>, vector<16xi1>
      %add3A_411 = arith.addi %add3A_408, %squeeze3A_363 : i32
      %swap3A_412 = arith.index_cast %add3A_411 : i32 to index
      %swap3A_413 = tpu.vector_load %arg6[%swap3A_412] masked %gt3A_334 {strides = array<i32>} : memref<8208xf32, #tpu.memory_space<vmem>>, vector<16xf32>, vector<16xi1>
      tpu.vector_store %arg6[%swap3A_412], %get3A_277 masked %gt3A_334 {strides = array<i32>} : memref<8208xf32, #tpu.memory_space<vmem>>, vector<16xf32>, vector<16xi1>
      %add3A_414 = arith.addi %add3A_411, %squeeze3A_366 : i32
      %swap3A_415 = arith.index_cast %add3A_414 : i32 to index
      %swap3A_416 = tpu.vector_load %arg6[%swap3A_415] masked %gt3A_336 {strides = array<i32>} : memref<8208xf32, #tpu.memory_space<vmem>>, vector<16xf32>, vector<16xi1>
      tpu.vector_store %arg6[%swap3A_415], %get3A_281 masked %gt3A_336 {strides = array<i32>} : memref<8208xf32, #tpu.memory_space<vmem>>, vector<16xf32>, vector<16xi1>
      %add3A_417 = arith.addi %add3A_414, %squeeze3A_369 : i32
      %swap3A_418 = arith.index_cast %add3A_417 : i32 to index
      %swap3A_419 = tpu.vector_load %arg6[%swap3A_418] masked %gt3A_338 {strides = array<i32>} : memref<8208xf32, #tpu.memory_space<vmem>>, vector<16xf32>, vector<16xi1>
      tpu.vector_store %arg6[%swap3A_418], %get3A_285 masked %gt3A_338 {strides = array<i32>} : memref<8208xf32, #tpu.memory_space<vmem>>, vector<16xf32>, vector<16xi1>
      %add3A_420 = arith.addi %add3A_417, %squeeze3A_372 : i32
      %swap3A_421 = arith.index_cast %add3A_420 : i32 to index
      %swap3A_422 = tpu.vector_load %arg6[%swap3A_421] masked %gt3A_340 {strides = array<i32>} : memref<8208xf32, #tpu.memory_space<vmem>>, vector<16xf32>, vector<16xi1>
      tpu.vector_store %arg6[%swap3A_421], %get3A_289 masked %gt3A_340 {strides = array<i32>} : memref<8208xf32, #tpu.memory_space<vmem>>, vector<16xf32>, vector<16xi1>
      %add3A_423 = arith.addi %add3A_420, %squeeze3A_375 : i32
      %swap3A_424 = arith.index_cast %add3A_423 : i32 to index
      %swap3A_425 = tpu.vector_load %arg6[%swap3A_424] masked %gt3A_342 {strides = array<i32>} : memref<8208xf32, #tpu.memory_space<vmem>>, vector<16xf32>, vector<16xi1>
      tpu.vector_store %arg6[%swap3A_424], %get3A_293 masked %gt3A_342 {strides = array<i32>} : memref<8208xf32, #tpu.memory_space<vmem>>, vector<16xf32>, vector<16xi1>
      %add3A_426 = arith.addi %add3A_423, %squeeze3A_378 : i32
      %swap3A_427 = arith.index_cast %add3A_426 : i32 to index
      %swap3A_428 = tpu.vector_load %arg6[%swap3A_427] masked %gt3A_344 {strides = array<i32>} : memref<8208xf32, #tpu.memory_space<vmem>>, vector<16xf32>, vector<16xi1>
      tpu.vector_store %arg6[%swap3A_427], %get3A_297 masked %gt3A_344 {strides = array<i32>} : memref<8208xf32, #tpu.memory_space<vmem>>, vector<16xf32>, vector<16xi1>
      %add3A_429 = arith.addi %add3A_426, %squeeze3A_381 : i32
      %swap3A_430 = arith.index_cast %add3A_429 : i32 to index
      %swap3A_431 = tpu.vector_load %arg6[%swap3A_430] masked %gt3A_346 {strides = array<i32>} : memref<8208xf32, #tpu.memory_space<vmem>>, vector<16xf32>, vector<16xi1>
      tpu.vector_store %arg6[%swap3A_430], %get3A_301 masked %gt3A_346 {strides = array<i32>} : memref<8208xf32, #tpu.memory_space<vmem>>, vector<16xf32>, vector<16xi1>
      %add3A_432 = arith.addi %add3A_429, %squeeze3A_384 : i32
      %swap3A_433 = arith.index_cast %add3A_432 : i32 to index
      %swap3A_434 = tpu.vector_load %arg6[%swap3A_433] masked %gt3A_348 {strides = array<i32>} : memref<8208xf32, #tpu.memory_space<vmem>>, vector<16xf32>, vector<16xi1>
      tpu.vector_store %arg6[%swap3A_433], %get3A_305 masked %gt3A_348 {strides = array<i32>} : memref<8208xf32, #tpu.memory_space<vmem>>, vector<16xf32>, vector<16xi1>
      %add3A_435 = arith.addi %add3A_432, %squeeze3A_387 : i32
      %swap3A_436 = arith.index_cast %add3A_435 : i32 to index
      %swap3A_437 = tpu.vector_load %arg6[%swap3A_436] masked %gt3A_350 {strides = array<i32>} : memref<8208xf32, #tpu.memory_space<vmem>>, vector<16xf32>, vector<16xi1>
      tpu.vector_store %arg6[%swap3A_436], %get3A_309 masked %gt3A_350 {strides = array<i32>} : memref<8208xf32, #tpu.memory_space<vmem>>, vector<16xf32>, vector<16xi1>
      %add3A_438 = arith.addi %add3A_435, %squeeze3A_390 : i32
      %swap3A_439 = arith.index_cast %add3A_438 : i32 to index
      %swap3A_440 = tpu.vector_load %arg6[%swap3A_439] masked %gt3A_352 {strides = array<i32>} : memref<8208xf32, #tpu.memory_space<vmem>>, vector<16xf32>, vector<16xi1>
      tpu.vector_store %arg6[%swap3A_439], %get3A_313 masked %gt3A_352 {strides = array<i32>} : memref<8208xf32, #tpu.memory_space<vmem>>, vector<16xf32>, vector<16xi1>
      %add3A_441 = arith.addi %add3A_438, %squeeze3A_393 : i32
      %swap3A_442 = arith.index_cast %add3A_441 : i32 to index
      %swap3A_443 = tpu.vector_load %arg6[%swap3A_442] masked %gt3A_354 {strides = array<i32>} : memref<8208xf32, #tpu.memory_space<vmem>>, vector<16xf32>, vector<16xi1>
      tpu.vector_store %arg6[%swap3A_442], %get3A_317 masked %gt3A_354 {strides = array<i32>} : memref<8208xf32, #tpu.memory_space<vmem>>, vector<16xf32>, vector<16xi1>
      %add3A_444 = arith.addi %add3A_441, %squeeze3A_396 : i32
      %swap3A_445 = arith.index_cast %add3A_444 : i32 to index
      %swap3A_446 = tpu.vector_load %arg6[%swap3A_445] masked %gt3A_356 {strides = array<i32>} : memref<8208xf32, #tpu.memory_space<vmem>>, vector<16xf32>, vector<16xi1>
      tpu.vector_store %arg6[%swap3A_445], %get3A_321 masked %gt3A_356 {strides = array<i32>} : memref<8208xf32, #tpu.memory_space<vmem>>, vector<16xf32>, vector<16xi1>
      %add3A_447 = arith.addi %add3A_444, %squeeze3A_399 : i32
      %swap3A_448 = arith.index_cast %add3A_447 : i32 to index
      %swap3A_449 = tpu.vector_load %arg6[%swap3A_448] masked %gt3A_358 {strides = array<i32>} : memref<8208xf32, #tpu.memory_space<vmem>>, vector<16xf32>, vector<16xi1>
      tpu.vector_store %arg6[%swap3A_448], %get3A_325 masked %gt3A_358 {strides = array<i32>} : memref<8208xf32, #tpu.memory_space<vmem>>, vector<16xf32>, vector<16xi1>
      %add3A_450 = arith.addi %add3A_447, %squeeze3A_402 : i32
      %swap3A_451 = arith.index_cast %add3A_450 : i32 to index
      %swap3A_452 = tpu.vector_load %arg6[%swap3A_451] masked %gt3A_360 {strides = array<i32>} : memref<8208xf32, #tpu.memory_space<vmem>>, vector<16xf32>, vector<16xi1>
      tpu.vector_store %arg6[%swap3A_451], %get3A_329 masked %gt3A_360 {strides = array<i32>} : memref<8208xf32, #tpu.memory_space<vmem>>, vector<16xf32>, vector<16xi1>
      %add3A_453 = arith.addi %add3A_450, %squeeze3A_405 : i32
      scf.yield %add3A_453 : i32
    }
    %scan3A_83 = arith.constant 32 : i32
    %broadcast_in_dim3A_84 = arith.constant -1.000000e+30 : f32
    %broadcast_in_dim3A_85 = vector.broadcast %broadcast_in_dim3A_84 : f32 to vector<16xf32>
    %swap3A = arith.index_cast %scan3A_82 : i32 to index
    %swap3A_86 = tpu.vector_load %arg6[%swap3A] {strides = array<i32>} : memref<8208xf32, #tpu.memory_space<vmem>>, vector<16xf32>,
    tpu.vector_store %arg6[%swap3A], %broadcast_in_dim3A_85 {strides = array<i32>} : memref<8208xf32, #tpu.memory_space<vmem>>, vector<16xf32>,
    %add3A_87 = arith.constant 16 : i32
    %add3A_88 = arith.addi %scan3A_82, %add3A_87 : i32
    %sub3A_89 = arith.constant 1 : i32
    %sub3A_90 = arith.subi %add3A_88, %sub3A_89 : i32
    %jit3A = arith.constant 16 : i32
    %div3A = arith.divsi %sub3A_90, %jit3A : i32
    %sign3A = arith.constant 0 : i32
    %sign3A_91 = arith.cmpi sgt, %sub3A_90, %sign3A : i32
    %sign3A_92 = arith.extui %sign3A_91 : i1 to i32
    %sign3A_93 = arith.constant 0 : i32
    %sign3A_94 = arith.cmpi slt, %sub3A_90, %sign3A_93 : i32
    %sign3A_95 = arith.extui %sign3A_94 : i1 to i32
    %sign3A_96 = arith.subi %sign3A_92, %sign3A_95 : i32
    %sign3A_97 = arith.constant 0 : i32
    %sign3A_98 = arith.cmpi sgt, %jit3A, %sign3A_97 : i32
    %sign3A_99 = arith.extui %sign3A_98 : i1 to i32
    %sign3A_100 = arith.constant 0 : i32
    %sign3A_101 = arith.cmpi slt, %jit3A, %sign3A_100 : i32
    %sign3A_102 = arith.extui %sign3A_101 : i1 to i32
    %sign3A_103 = arith.subi %sign3A_99, %sign3A_102 : i32
    %ne3A = arith.cmpi ne, %sign3A_96, %sign3A_103 : i32
    %rem3A = arith.remsi %sub3A_90, %jit3A : i32
    %ne3A_104 = arith.constant 0 : i32
    %ne3A_105 = arith.cmpi ne, %rem3A, %ne3A_104 : i32
    %and3A = arith.andi %ne3A, %ne3A_105 : i1
    %sub3A_106 = arith.constant 1 : i32
    %sub3A_107 = arith.subi %div3A, %sub3A_106 : i32
    %select_n3A = arith.select %and3A, %sub3A_107, %div3A : i32
    %broadcast_in_dim3A_108 = arith.constant 0 : i32
    %broadcast_in_dim3A_109 = vector.broadcast %broadcast_in_dim3A_108 : i32 to vector<16xi32>
    %broadcast_in_dim3A_110 = vector.broadcast %sub3A_76 : f32 to vector<16xf32>
    %while3A = arith.constant true
    %while3A_111 = arith.constant 0 : i32
    %while3A_112:4 = scf.while (%while3A_263 = %while3A, %while3A_264 = %while3A_111, %while3A_265 = %broadcast_in_dim3A_109, %while3A_266 = %broadcast_in_dim3A_110) : (i1, i32, vector<16xi32>, vector<16xf32>) -> (i1, i32, vector<16xi32>, vector<16xf32>) {
      %lt3A = arith.constant 512 : i32
      %lt3A_267 = arith.cmpi slt, %while3A_264, %lt3A : i32
      %and3A_268 = arith.andi %while3A_263, %lt3A_267 : i1
      scf.condition(%and3A_268) %while3A_263, %while3A_264, %while3A_265, %while3A_266 : i1, i32, vector<16xi32>, vector<16xf32>
    } do {
    ^bb0(%while3A_263: i1, %while3A_264: i32, %while3A_265: vector<16xi32>, %while3A_266: vector<16xf32>):
      %broadcast_in_dim3A_267 = arith.constant 0 : i32
      %broadcast_in_dim3A_268 = vector.broadcast %broadcast_in_dim3A_267 : i32 to vector<16xi32>
      %broadcast_in_dim3A_269 = arith.constant 0.000000e+00 : f32
      %broadcast_in_dim3A_270 = vector.broadcast %broadcast_in_dim3A_269 : f32 to vector<16xf32>
      %while3A_271 = arith.constant 0 : i32
      %while3A_272 = arith.subi %select_n3A, %while3A_271 : i32
      %while3A_273 = arith.addi %while3A_271, %while3A_272 : i32
      %while3A_274 = arith.constant 1 : i32
      %while3A_275 = arith.divsi %while3A_272, %while3A_274 : i32
      %while3A_276 = arith.muli %while3A_275, %while3A_274 : i32
      %while3A_277 = arith.addi %while3A_271, %while3A_276 : i32
      %while3A_278 = arith.constant 1 : i32
      %while3A_279:2 = scf.for %while3A_302 = %while3A_271 to %while3A_277 step %while3A_278 iter_args(%while3A_303 = %broadcast_in_dim3A_268, %while3A_304 = %broadcast_in_dim3A_270) -> (vector<16xi32>, vector<16xf32>)  : i32 {
        %mul3A_305 = arith.constant 16 : i32
        %mul3A_306 = arith.muli %while3A_302, %mul3A_305 : i32
        %get3A = arith.index_cast %mul3A_306 : i32 to index
        %get3A_307 = tpu.vector_load %arg6[%get3A] {strides = array<i32>} : memref<8208xf32, #tpu.memory_space<vmem>>, vector<16xf32>,
        %gt3A = arith.cmpf ogt, %get3A_307, %while3A_266 : vector<16xf32>
        %all_reduce_population_count3A = tpu.all_reduce %gt3A {dim = 0 : i64, kind = #tpu.reduction_kind<sum>} : vector<16xi1> -> vector<16xi32>
        %add3A_308 = arith.addi %while3A_303, %all_reduce_population_count3A : vector<16xi32>
        %jit3A_309 = arith.constant 0.000000e+00 : f32
        %broadcast_in_dim3A_310 = vector.broadcast %jit3A_309 : f32 to vector<16xf32>
        %select_n3A_311 = arith.select %gt3A, %get3A_307, %broadcast_in_dim3A_310 : vector<16xi1>, vector<16xf32>
        %add3A_312 = arith.addf %while3A_304, %select_n3A_311 : vector<16xf32>
        scf.yield %add3A_308, %add3A_312 : vector<16xi32>, vector<16xf32>
      }
      %while3A_280 = arith.constant 1 : i32
      %while3A_281:2 = scf.for %while3A_302 = %while3A_277 to %while3A_273 step %while3A_280 iter_args(%while3A_303 = %while3A_279#0, %while3A_304 = %while3A_279#1) -> (vector<16xi32>, vector<16xf32>)  : i32 {
        %mul3A_305 = arith.constant 16 : i32
        %mul3A_306 = arith.muli %while3A_302, %mul3A_305 : i32
        %get3A = arith.index_cast %mul3A_306 : i32 to index
        %get3A_307 = tpu.vector_load %arg6[%get3A] {strides = array<i32>} : memref<8208xf32, #tpu.memory_space<vmem>>, vector<16xf32>,
        %gt3A = arith.cmpf ogt, %get3A_307, %while3A_266 : vector<16xf32>
        %all_reduce_population_count3A = tpu.all_reduce %gt3A {dim = 0 : i64, kind = #tpu.reduction_kind<sum>} : vector<16xi1> -> vector<16xi32>
        %add3A_308 = arith.addi %while3A_303, %all_reduce_population_count3A : vector<16xi32>
        %jit3A_309 = arith.constant 0.000000e+00 : f32
        %broadcast_in_dim3A_310 = vector.broadcast %jit3A_309 : f32 to vector<16xf32>
        %select_n3A_311 = arith.select %gt3A, %get3A_307, %broadcast_in_dim3A_310 : vector<16xi1>, vector<16xf32>
        %add3A_312 = arith.addf %while3A_304, %select_n3A_311 : vector<16xf32>
        scf.yield %add3A_308, %add3A_312 : vector<16xi32>, vector<16xf32>
      }
      %reduce_sum3A = arith.constant true
      %reduce_sum3A_282 = vector.broadcast %reduce_sum3A : i1 to vector<16xi1>
      %reduce_sum3A_283 = tpu.scan <sum>, %while3A_281#1 masked %reduce_sum3A_282 : vector<16xf32>, vector<16xi1> -> vector<16xf32>
      %reduce_sum3A_284 = vector.extract %reduce_sum3A_283[15] : f32 from vector<16xf32>
      %sub3A_285 = arith.constant 1.000000e+00 : f32
      %sub3A_286 = arith.subf %reduce_sum3A_284, %sub3A_285 : f32
      %broadcast_in_dim3A_287 = vector.broadcast %sub3A_286 : f32 to vector<16xf32>
      %convert_element_type3A = arith.sitofp %while3A_281#0 : vector<16xi32> to vector<16xf32>
      %div3A_288 = arith.divf %broadcast_in_dim3A_287, %convert_element_type3A : vector<16xf32>
      %ne3A_289 = arith.cmpi ne, %while3A_281#0, %while3A_265 : vector<16xi32>
      %reduce_or3A = arith.constant 1.000000e+00 : f32
      %reduce_or3A_290 = arith.constant 0.000000e+00 : f32
      %reduce_or3A_291 = vector.broadcast %reduce_or3A : f32 to vector<16xf32>
      %reduce_or3A_292 = vector.broadcast %reduce_or3A_290 : f32 to vector<16xf32>
      %reduce_or3A_293 = arith.select %ne3A_289, %reduce_or3A_291, %reduce_or3A_292 : vector<16xi1>, vector<16xf32>
      %reduce_or3A_294 = arith.constant true
      %reduce_or3A_295 = vector.broadcast %reduce_or3A_294 : i1 to vector<16xi1>
      %reduce_or3A_296 = tpu.scan <max>, %reduce_or3A_293 masked %reduce_or3A_295 : vector<16xf32>, vector<16xi1> -> vector<16xf32>
      %reduce_or3A_297 = vector.extract %reduce_or3A_296[15] : f32 from vector<16xf32>
      %reduce_or3A_298 = arith.constant 0.000000e+00 : f32
      %reduce_or3A_299 = arith.cmpf ogt, %reduce_or3A_297, %reduce_or3A_298 : f32
      %add3A_300 = arith.constant 1 : i32
      %add3A_301 = arith.addi %while3A_264, %add3A_300 : i32
      scf.yield %reduce_or3A_299, %add3A_301, %while3A_281#0, %div3A_288 : i1, i32, vector<16xi32>, vector<16xf32>
    }
    %scan3A_113 = arith.constant 0 : i32
    %scan3A_114 = arith.constant 0 : i32
    %scan3A_115 = arith.constant 32 : i32
    %scan3A_116 = arith.addi %scan3A_114, %scan3A_115 : i32
    %scan3A_117 = arith.constant 1 : i32
    scf.for %scan3A_263 = %scan3A_114 to %scan3A_116 step %scan3A_117  : i32 {
      %mul3A_264 = arith.constant 256 : i32
      %mul3A_265 = arith.muli %scan3A_263, %mul3A_264 : i32
      %add3A_266 = arith.constant 0 : i32
      %add3A_267 = arith.addi %mul3A_265, %add3A_266 : i32
      %get3A = arith.index_cast %add3A_267 : i32 to index
      %get3A_268 = tpu.vector_load %arg4[%get3A] {strides = array<i32>} : memref<8192xf32, #tpu.memory_space<vmem>>, vector<16xf32>,
      %sub3A_269 = arith.subf %get3A_268, %while3A_112#3 : vector<16xf32>
      %max3A_270 = arith.constant 0.000000e+00 : f32
      %max3A_271 = vector.broadcast %max3A_270 : f32 to vector<16xf32>
      %max3A_272 = arith.maximumf %sub3A_269, %max3A_271 : vector<16xf32>
      %swap3A_273 = arith.index_cast %add3A_267 : i32 to index
      %swap3A_274 = tpu.vector_load %arg4[%swap3A_273] {strides = array<i32>} : memref<8192xf32, #tpu.memory_space<vmem>>, vector<16xf32>,
      tpu.vector_store %arg4[%swap3A_273], %max3A_272 {strides = array<i32>} : memref<8192xf32, #tpu.memory_space<vmem>>, vector<16xf32>,
      %add3A_275 = arith.constant 16 : i32
      %add3A_276 = arith.addi %mul3A_265, %add3A_275 : i32
      %get3A_277 = arith.index_cast %add3A_276 : i32 to index
      %get3A_278 = tpu.vector_load %arg4[%get3A_277] {strides = array<i32>} : memref<8192xf32, #tpu.memory_space<vmem>>, vector<16xf32>,
      %sub3A_279 = arith.subf %get3A_278, %while3A_112#3 : vector<16xf32>
      %max3A_280 = arith.constant 0.000000e+00 : f32
      %max3A_281 = vector.broadcast %max3A_280 : f32 to vector<16xf32>
      %max3A_282 = arith.maximumf %sub3A_279, %max3A_281 : vector<16xf32>
      %swap3A_283 = arith.index_cast %add3A_276 : i32 to index
      %swap3A_284 = tpu.vector_load %arg4[%swap3A_283] {strides = array<i32>} : memref<8192xf32, #tpu.memory_space<vmem>>, vector<16xf32>,
      tpu.vector_store %arg4[%swap3A_283], %max3A_282 {strides = array<i32>} : memref<8192xf32, #tpu.memory_space<vmem>>, vector<16xf32>,
      %add3A_285 = arith.constant 32 : i32
      %add3A_286 = arith.addi %mul3A_265, %add3A_285 : i32
      %get3A_287 = arith.index_cast %add3A_286 : i32 to index
      %get3A_288 = tpu.vector_load %arg4[%get3A_287] {strides = array<i32>} : memref<8192xf32, #tpu.memory_space<vmem>>, vector<16xf32>,
      %sub3A_289 = arith.subf %get3A_288, %while3A_112#3 : vector<16xf32>
      %max3A_290 = arith.constant 0.000000e+00 : f32
      %max3A_291 = vector.broadcast %max3A_290 : f32 to vector<16xf32>
      %max3A_292 = arith.maximumf %sub3A_289, %max3A_291 : vector<16xf32>
      %swap3A_293 = arith.index_cast %add3A_286 : i32 to index
      %swap3A_294 = tpu.vector_load %arg4[%swap3A_293] {strides = array<i32>} : memref<8192xf32, #tpu.memory_space<vmem>>, vector<16xf32>,
      tpu.vector_store %arg4[%swap3A_293], %max3A_292 {strides = array<i32>} : memref<8192xf32, #tpu.memory_space<vmem>>, vector<16xf32>,
      %add3A_295 = arith.constant 48 : i32
      %add3A_296 = arith.addi %mul3A_265, %add3A_295 : i32
      %get3A_297 = arith.index_cast %add3A_296 : i32 to index
      %get3A_298 = tpu.vector_load %arg4[%get3A_297] {strides = array<i32>} : memref<8192xf32, #tpu.memory_space<vmem>>, vector<16xf32>,
      %sub3A_299 = arith.subf %get3A_298, %while3A_112#3 : vector<16xf32>
      %max3A_300 = arith.constant 0.000000e+00 : f32
      %max3A_301 = vector.broadcast %max3A_300 : f32 to vector<16xf32>
      %max3A_302 = arith.maximumf %sub3A_299, %max3A_301 : vector<16xf32>
      %swap3A_303 = arith.index_cast %add3A_296 : i32 to index
      %swap3A_304 = tpu.vector_load %arg4[%swap3A_303] {strides = array<i32>} : memref<8192xf32, #tpu.memory_space<vmem>>, vector<16xf32>,
      tpu.vector_store %arg4[%swap3A_303], %max3A_302 {strides = array<i32>} : memref<8192xf32, #tpu.memory_space<vmem>>, vector<16xf32>,
      %add3A_305 = arith.constant 64 : i32
      %add3A_306 = arith.addi %mul3A_265, %add3A_305 : i32
      %get3A_307 = arith.index_cast %add3A_306 : i32 to index
      %get3A_308 = tpu.vector_load %arg4[%get3A_307] {strides = array<i32>} : memref<8192xf32, #tpu.memory_space<vmem>>, vector<16xf32>,
      %sub3A_309 = arith.subf %get3A_308, %while3A_112#3 : vector<16xf32>
      %max3A_310 = arith.constant 0.000000e+00 : f32
      %max3A_311 = vector.broadcast %max3A_310 : f32 to vector<16xf32>
      %max3A_312 = arith.maximumf %sub3A_309, %max3A_311 : vector<16xf32>
      %swap3A_313 = arith.index_cast %add3A_306 : i32 to index
      %swap3A_314 = tpu.vector_load %arg4[%swap3A_313] {strides = array<i32>} : memref<8192xf32, #tpu.memory_space<vmem>>, vector<16xf32>,
      tpu.vector_store %arg4[%swap3A_313], %max3A_312 {strides = array<i32>} : memref<8192xf32, #tpu.memory_space<vmem>>, vector<16xf32>,
      %add3A_315 = arith.constant 80 : i32
      %add3A_316 = arith.addi %mul3A_265, %add3A_315 : i32
      %get3A_317 = arith.index_cast %add3A_316 : i32 to index
      %get3A_318 = tpu.vector_load %arg4[%get3A_317] {strides = array<i32>} : memref<8192xf32, #tpu.memory_space<vmem>>, vector<16xf32>,
      %sub3A_319 = arith.subf %get3A_318, %while3A_112#3 : vector<16xf32>
      %max3A_320 = arith.constant 0.000000e+00 : f32
      %max3A_321 = vector.broadcast %max3A_320 : f32 to vector<16xf32>
      %max3A_322 = arith.maximumf %sub3A_319, %max3A_321 : vector<16xf32>
      %swap3A_323 = arith.index_cast %add3A_316 : i32 to index
      %swap3A_324 = tpu.vector_load %arg4[%swap3A_323] {strides = array<i32>} : memref<8192xf32, #tpu.memory_space<vmem>>, vector<16xf32>,
      tpu.vector_store %arg4[%swap3A_323], %max3A_322 {strides = array<i32>} : memref<8192xf32, #tpu.memory_space<vmem>>, vector<16xf32>,
      %add3A_325 = arith.constant 96 : i32
      %add3A_326 = arith.addi %mul3A_265, %add3A_325 : i32
      %get3A_327 = arith.index_cast %add3A_326 : i32 to index
      %get3A_328 = tpu.vector_load %arg4[%get3A_327] {strides = array<i32>} : memref<8192xf32, #tpu.memory_space<vmem>>, vector<16xf32>,
      %sub3A_329 = arith.subf %get3A_328, %while3A_112#3 : vector<16xf32>
      %max3A_330 = arith.constant 0.000000e+00 : f32
      %max3A_331 = vector.broadcast %max3A_330 : f32 to vector<16xf32>
      %max3A_332 = arith.maximumf %sub3A_329, %max3A_331 : vector<16xf32>
      %swap3A_333 = arith.index_cast %add3A_326 : i32 to index
      %swap3A_334 = tpu.vector_load %arg4[%swap3A_333] {strides = array<i32>} : memref<8192xf32, #tpu.memory_space<vmem>>, vector<16xf32>,
      tpu.vector_store %arg4[%swap3A_333], %max3A_332 {strides = array<i32>} : memref<8192xf32, #tpu.memory_space<vmem>>, vector<16xf32>,
      %add3A_335 = arith.constant 112 : i32
      %add3A_336 = arith.addi %mul3A_265, %add3A_335 : i32
      %get3A_337 = arith.index_cast %add3A_336 : i32 to index
      %get3A_338 = tpu.vector_load %arg4[%get3A_337] {strides = array<i32>} : memref<8192xf32, #tpu.memory_space<vmem>>, vector<16xf32>,
      %sub3A_339 = arith.subf %get3A_338, %while3A_112#3 : vector<16xf32>
      %max3A_340 = arith.constant 0.000000e+00 : f32
      %max3A_341 = vector.broadcast %max3A_340 : f32 to vector<16xf32>
      %max3A_342 = arith.maximumf %sub3A_339, %max3A_341 : vector<16xf32>
      %swap3A_343 = arith.index_cast %add3A_336 : i32 to index
      %swap3A_344 = tpu.vector_load %arg4[%swap3A_343] {strides = array<i32>} : memref<8192xf32, #tpu.memory_space<vmem>>, vector<16xf32>,
      tpu.vector_store %arg4[%swap3A_343], %max3A_342 {strides = array<i32>} : memref<8192xf32, #tpu.memory_space<vmem>>, vector<16xf32>,
      %add3A_345 = arith.constant 128 : i32
      %add3A_346 = arith.addi %mul3A_265, %add3A_345 : i32
      %get3A_347 = arith.index_cast %add3A_346 : i32 to index
      %get3A_348 = tpu.vector_load %arg4[%get3A_347] {strides = array<i32>} : memref<8192xf32, #tpu.memory_space<vmem>>, vector<16xf32>,
      %sub3A_349 = arith.subf %get3A_348, %while3A_112#3 : vector<16xf32>
      %max3A_350 = arith.constant 0.000000e+00 : f32
      %max3A_351 = vector.broadcast %max3A_350 : f32 to vector<16xf32>
      %max3A_352 = arith.maximumf %sub3A_349, %max3A_351 : vector<16xf32>
      %swap3A_353 = arith.index_cast %add3A_346 : i32 to index
      %swap3A_354 = tpu.vector_load %arg4[%swap3A_353] {strides = array<i32>} : memref<8192xf32, #tpu.memory_space<vmem>>, vector<16xf32>,
      tpu.vector_store %arg4[%swap3A_353], %max3A_352 {strides = array<i32>} : memref<8192xf32, #tpu.memory_space<vmem>>, vector<16xf32>,
      %add3A_355 = arith.constant 144 : i32
      %add3A_356 = arith.addi %mul3A_265, %add3A_355 : i32
      %get3A_357 = arith.index_cast %add3A_356 : i32 to index
      %get3A_358 = tpu.vector_load %arg4[%get3A_357] {strides = array<i32>} : memref<8192xf32, #tpu.memory_space<vmem>>, vector<16xf32>,
      %sub3A_359 = arith.subf %get3A_358, %while3A_112#3 : vector<16xf32>
      %max3A_360 = arith.constant 0.000000e+00 : f32
      %max3A_361 = vector.broadcast %max3A_360 : f32 to vector<16xf32>
      %max3A_362 = arith.maximumf %sub3A_359, %max3A_361 : vector<16xf32>
      %swap3A_363 = arith.index_cast %add3A_356 : i32 to index
      %swap3A_364 = tpu.vector_load %arg4[%swap3A_363] {strides = array<i32>} : memref<8192xf32, #tpu.memory_space<vmem>>, vector<16xf32>,
      tpu.vector_store %arg4[%swap3A_363], %max3A_362 {strides = array<i32>} : memref<8192xf32, #tpu.memory_space<vmem>>, vector<16xf32>,
      %add3A_365 = arith.constant 160 : i32
      %add3A_366 = arith.addi %mul3A_265, %add3A_365 : i32
      %get3A_367 = arith.index_cast %add3A_366 : i32 to index
      %get3A_368 = tpu.vector_load %arg4[%get3A_367] {strides = array<i32>} : memref<8192xf32, #tpu.memory_space<vmem>>, vector<16xf32>,
      %sub3A_369 = arith.subf %get3A_368, %while3A_112#3 : vector<16xf32>
      %max3A_370 = arith.constant 0.000000e+00 : f32
      %max3A_371 = vector.broadcast %max3A_370 : f32 to vector<16xf32>
      %max3A_372 = arith.maximumf %sub3A_369, %max3A_371 : vector<16xf32>
      %swap3A_373 = arith.index_cast %add3A_366 : i32 to index
      %swap3A_374 = tpu.vector_load %arg4[%swap3A_373] {strides = array<i32>} : memref<8192xf32, #tpu.memory_space<vmem>>, vector<16xf32>,
      tpu.vector_store %arg4[%swap3A_373], %max3A_372 {strides = array<i32>} : memref<8192xf32, #tpu.memory_space<vmem>>, vector<16xf32>,
      %add3A_375 = arith.constant 176 : i32
      %add3A_376 = arith.addi %mul3A_265, %add3A_375 : i32
      %get3A_377 = arith.index_cast %add3A_376 : i32 to index
      %get3A_378 = tpu.vector_load %arg4[%get3A_377] {strides = array<i32>} : memref<8192xf32, #tpu.memory_space<vmem>>, vector<16xf32>,
      %sub3A_379 = arith.subf %get3A_378, %while3A_112#3 : vector<16xf32>
      %max3A_380 = arith.constant 0.000000e+00 : f32
      %max3A_381 = vector.broadcast %max3A_380 : f32 to vector<16xf32>
      %max3A_382 = arith.maximumf %sub3A_379, %max3A_381 : vector<16xf32>
      %swap3A_383 = arith.index_cast %add3A_376 : i32 to index
      %swap3A_384 = tpu.vector_load %arg4[%swap3A_383] {strides = array<i32>} : memref<8192xf32, #tpu.memory_space<vmem>>, vector<16xf32>,
      tpu.vector_store %arg4[%swap3A_383], %max3A_382 {strides = array<i32>} : memref<8192xf32, #tpu.memory_space<vmem>>, vector<16xf32>,
      %add3A_385 = arith.constant 192 : i32
      %add3A_386 = arith.addi %mul3A_265, %add3A_385 : i32
      %get3A_387 = arith.index_cast %add3A_386 : i32 to index
      %get3A_388 = tpu.vector_load %arg4[%get3A_387] {strides = array<i32>} : memref<8192xf32, #tpu.memory_space<vmem>>, vector<16xf32>,
      %sub3A_389 = arith.subf %get3A_388, %while3A_112#3 : vector<16xf32>
      %max3A_390 = arith.constant 0.000000e+00 : f32
      %max3A_391 = vector.broadcast %max3A_390 : f32 to vector<16xf32>
      %max3A_392 = arith.maximumf %sub3A_389, %max3A_391 : vector<16xf32>
      %swap3A_393 = arith.index_cast %add3A_386 : i32 to index
      %swap3A_394 = tpu.vector_load %arg4[%swap3A_393] {strides = array<i32>} : memref<8192xf32, #tpu.memory_space<vmem>>, vector<16xf32>,
      tpu.vector_store %arg4[%swap3A_393], %max3A_392 {strides = array<i32>} : memref<8192xf32, #tpu.memory_space<vmem>>, vector<16xf32>,
      %add3A_395 = arith.constant 208 : i32
      %add3A_396 = arith.addi %mul3A_265, %add3A_395 : i32
      %get3A_397 = arith.index_cast %add3A_396 : i32 to index
      %get3A_398 = tpu.vector_load %arg4[%get3A_397] {strides = array<i32>} : memref<8192xf32, #tpu.memory_space<vmem>>, vector<16xf32>,
      %sub3A_399 = arith.subf %get3A_398, %while3A_112#3 : vector<16xf32>
      %max3A_400 = arith.constant 0.000000e+00 : f32
      %max3A_401 = vector.broadcast %max3A_400 : f32 to vector<16xf32>
      %max3A_402 = arith.maximumf %sub3A_399, %max3A_401 : vector<16xf32>
      %swap3A_403 = arith.index_cast %add3A_396 : i32 to index
      %swap3A_404 = tpu.vector_load %arg4[%swap3A_403] {strides = array<i32>} : memref<8192xf32, #tpu.memory_space<vmem>>, vector<16xf32>,
      tpu.vector_store %arg4[%swap3A_403], %max3A_402 {strides = array<i32>} : memref<8192xf32, #tpu.memory_space<vmem>>, vector<16xf32>,
      %add3A_405 = arith.constant 224 : i32
      %add3A_406 = arith.addi %mul3A_265, %add3A_405 : i32
      %get3A_407 = arith.index_cast %add3A_406 : i32 to index
      %get3A_408 = tpu.vector_load %arg4[%get3A_407] {strides = array<i32>} : memref<8192xf32, #tpu.memory_space<vmem>>, vector<16xf32>,
      %sub3A_409 = arith.subf %get3A_408, %while3A_112#3 : vector<16xf32>
      %max3A_410 = arith.constant 0.000000e+00 : f32
      %max3A_411 = vector.broadcast %max3A_410 : f32 to vector<16xf32>
      %max3A_412 = arith.maximumf %sub3A_409, %max3A_411 : vector<16xf32>
      %swap3A_413 = arith.index_cast %add3A_406 : i32 to index
      %swap3A_414 = tpu.vector_load %arg4[%swap3A_413] {strides = array<i32>} : memref<8192xf32, #tpu.memory_space<vmem>>, vector<16xf32>,
      tpu.vector_store %arg4[%swap3A_413], %max3A_412 {strides = array<i32>} : memref<8192xf32, #tpu.memory_space<vmem>>, vector<16xf32>,
      %add3A_415 = arith.constant 240 : i32
      %add3A_416 = arith.addi %mul3A_265, %add3A_415 : i32
      %get3A_417 = arith.index_cast %add3A_416 : i32 to index
      %get3A_418 = tpu.vector_load %arg4[%get3A_417] {strides = array<i32>} : memref<8192xf32, #tpu.memory_space<vmem>>, vector<16xf32>,
      %sub3A_419 = arith.subf %get3A_418, %while3A_112#3 : vector<16xf32>
      %max3A_420 = arith.constant 0.000000e+00 : f32
      %max3A_421 = vector.broadcast %max3A_420 : f32 to vector<16xf32>
      %max3A_422 = arith.maximumf %sub3A_419, %max3A_421 : vector<16xf32>
      %swap3A_423 = arith.index_cast %add3A_416 : i32 to index
      %swap3A_424 = tpu.vector_load %arg4[%swap3A_423] {strides = array<i32>} : memref<8192xf32, #tpu.memory_space<vmem>>, vector<16xf32>,
      tpu.vector_store %arg4[%swap3A_423], %max3A_422 {strides = array<i32>} : memref<8192xf32, #tpu.memory_space<vmem>>, vector<16xf32>,
    }
    %scan3A_118 = arith.constant 32 : i32
    %add3A_119 = arith.constant 0 : i32
    %add3A_120 = arith.addi %mul3A_2, %add3A_119 : i32
    %dma_start3A_121 = arith.constant 0 : i32
    %dma_start3A_122 = tpu.memref_slice %arg3[%add3A_120, %dma_start3A_121] : memref<64x8192xf32, #tpu.memory_space<hbm>> -> memref<1x8192xf32, #tpu.memory_space<hbm>>
    %dma_start3A_123 = tpu.memref_squeeze %dma_start3A_122 : memref<1x8192xf32, #tpu.memory_space<hbm>> -> memref<8192xf32, #tpu.memory_space<hbm>>
    %dma_start3A_124 = arith.constant 0 : i32
    %dma_start3A_125 = tpu.memref_slice %arg3[%add3A_120, %dma_start3A_124] : memref<64x8192xf32, #tpu.memory_space<hbm>> -> memref<1x8192xf32, #tpu.memory_space<hbm>>
    %dma_start3A_126 = tpu.memref_squeeze %dma_start3A_125 : memref<1x8192xf32, #tpu.memory_space<hbm>> -> memref<8192xf32, #tpu.memory_space<hbm>>
    tpu.enqueue_dma source(%arg4 : memref<8192xf32, #tpu.memory_space<vmem>>) target(%dma_start3A_126 : memref<8192xf32, #tpu.memory_space<hbm>>) target_semaphore(%arg9 : memref<!tpu.dma_semaphore, #tpu.memory_space<semaphore_mem>>)
    %dma_wait3A_127 = arith.constant 0 : i32
    %dma_wait3A_128 = tpu.memref_slice %arg2[%add3A_11, %dma_wait3A_127] : memref<64x8192xf32, #tpu.memory_space<hbm>> -> memref<1x8192xf32, #tpu.memory_space<hbm>>
    %dma_wait3A_129 = tpu.memref_squeeze %dma_wait3A_128 : memref<1x8192xf32, #tpu.memory_space<hbm>> -> memref<8192xf32, #tpu.memory_space<hbm>>
    %dma_wait3A_130 = arith.constant 0 : i32
    %dma_wait3A_131 = tpu.memref_slice %arg2[%add3A_11, %dma_wait3A_130] : memref<64x8192xf32, #tpu.memory_space<hbm>> -> memref<1x8192xf32, #tpu.memory_space<hbm>>
    %dma_wait3A_132 = tpu.memref_squeeze %dma_wait3A_131 : memref<1x8192xf32, #tpu.memory_space<hbm>> -> memref<8192xf32, #tpu.memory_space<hbm>>
    tpu.wait_dma2 semaphore(%arg8 : memref<!tpu.dma_semaphore, #tpu.memory_space<semaphore_mem>>) src(%dma_wait3A_132 : memref<8192xf32, #tpu.memory_space<hbm>>) dst(%arg5 : memref<8192xf32, #tpu.memory_space<vmem>>)
    %broadcast_in_dim3A_133 = arith.constant -1.000000e+30 : f32
    %broadcast_in_dim3A_134 = vector.broadcast %broadcast_in_dim3A_133 : f32 to vector<16xf32>
    %broadcast_in_dim3A_135 = arith.constant -1.000000e+30 : f32
    %broadcast_in_dim3A_136 = vector.broadcast %broadcast_in_dim3A_135 : f32 to vector<16xf32>
    %broadcast_in_dim3A_137 = arith.constant -1.000000e+30 : f32
    %broadcast_in_dim3A_138 = vector.broadcast %broadcast_in_dim3A_137 : f32 to vector<16xf32>
    %broadcast_in_dim3A_139 = arith.constant -1.000000e+30 : f32
    %broadcast_in_dim3A_140 = vector.broadcast %broadcast_in_dim3A_139 : f32 to vector<16xf32>
    %broadcast_in_dim3A_141 = arith.constant -1.000000e+30 : f32
    %broadcast_in_dim3A_142 = vector.broadcast %broadcast_in_dim3A_141 : f32 to vector<16xf32>
    %broadcast_in_dim3A_143 = arith.constant -1.000000e+30 : f32
    %broadcast_in_dim3A_144 = vector.broadcast %broadcast_in_dim3A_143 : f32 to vector<16xf32>
    %broadcast_in_dim3A_145 = arith.constant -1.000000e+30 : f32
    %broadcast_in_dim3A_146 = vector.broadcast %broadcast_in_dim3A_145 : f32 to vector<16xf32>
    %broadcast_in_dim3A_147 = arith.constant -1.000000e+30 : f32
    %broadcast_in_dim3A_148 = vector.broadcast %broadcast_in_dim3A_147 : f32 to vector<16xf32>
    %broadcast_in_dim3A_149 = arith.constant -1.000000e+30 : f32
    %broadcast_in_dim3A_150 = vector.broadcast %broadcast_in_dim3A_149 : f32 to vector<16xf32>
    %broadcast_in_dim3A_151 = arith.constant -1.000000e+30 : f32
    %broadcast_in_dim3A_152 = vector.broadcast %broadcast_in_dim3A_151 : f32 to vector<16xf32>
    %broadcast_in_dim3A_153 = arith.constant -1.000000e+30 : f32
    %broadcast_in_dim3A_154 = vector.broadcast %broadcast_in_dim3A_153 : f32 to vector<16xf32>
    %broadcast_in_dim3A_155 = arith.constant -1.000000e+30 : f32
    %broadcast_in_dim3A_156 = vector.broadcast %broadcast_in_dim3A_155 : f32 to vector<16xf32>
    %broadcast_in_dim3A_157 = arith.constant -1.000000e+30 : f32
    %broadcast_in_dim3A_158 = vector.broadcast %broadcast_in_dim3A_157 : f32 to vector<16xf32>
    %broadcast_in_dim3A_159 = arith.constant -1.000000e+30 : f32
    %broadcast_in_dim3A_160 = vector.broadcast %broadcast_in_dim3A_159 : f32 to vector<16xf32>
    %broadcast_in_dim3A_161 = arith.constant -1.000000e+30 : f32
    %broadcast_in_dim3A_162 = vector.broadcast %broadcast_in_dim3A_161 : f32 to vector<16xf32>
    %broadcast_in_dim3A_163 = arith.constant -1.000000e+30 : f32
    %broadcast_in_dim3A_164 = vector.broadcast %broadcast_in_dim3A_163 : f32 to vector<16xf32>
    %scan3A_165 = arith.constant 0 : i32
    %scan3A_166 = arith.constant 32 : i32
    %scan3A_167 = arith.addi %scan3A_165, %scan3A_166 : i32
    %scan3A_168 = arith.constant 1 : i32
    %scan3A_169:16 = scf.for %scan3A_263 = %scan3A_165 to %scan3A_167 step %scan3A_168 iter_args(%scan3A_264 = %broadcast_in_dim3A_134, %scan3A_265 = %broadcast_in_dim3A_136, %scan3A_266 = %broadcast_in_dim3A_138, %scan3A_267 = %broadcast_in_dim3A_140, %scan3A_268 = %broadcast_in_dim3A_142, %scan3A_269 = %broadcast_in_dim3A_144, %scan3A_270 = %broadcast_in_dim3A_146, %scan3A_271 = %broadcast_in_dim3A_148, %scan3A_272 = %broadcast_in_dim3A_150, %scan3A_273 = %broadcast_in_dim3A_152, %scan3A_274 = %broadcast_in_dim3A_154, %scan3A_275 = %broadcast_in_dim3A_156, %scan3A_276 = %broadcast_in_dim3A_158, %scan3A_277 = %broadcast_in_dim3A_160, %scan3A_278 = %broadcast_in_dim3A_162, %scan3A_279 = %broadcast_in_dim3A_164) -> (vector<16xf32>, vector<16xf32>, vector<16xf32>, vector<16xf32>, vector<16xf32>, vector<16xf32>, vector<16xf32>, vector<16xf32>, vector<16xf32>, vector<16xf32>, vector<16xf32>, vector<16xf32>, vector<16xf32>, vector<16xf32>, vector<16xf32>, vector<16xf32>)  : i32 {
      %mul3A_280 = arith.constant 256 : i32
      %mul3A_281 = arith.muli %scan3A_263, %mul3A_280 : i32
      %add3A_282 = arith.constant 0 : i32
      %add3A_283 = arith.addi %mul3A_281, %add3A_282 : i32
      %get3A = arith.index_cast %add3A_283 : i32 to index
      %get3A_284 = tpu.vector_load %arg5[%get3A] {strides = array<i32>} : memref<8192xf32, #tpu.memory_space<vmem>>, vector<16xf32>,
      %max3A_285 = arith.maximumf %scan3A_264, %get3A_284 : vector<16xf32>
      %add3A_286 = arith.constant 16 : i32
      %add3A_287 = arith.addi %mul3A_281, %add3A_286 : i32
      %get3A_288 = arith.index_cast %add3A_287 : i32 to index
      %get3A_289 = tpu.vector_load %arg5[%get3A_288] {strides = array<i32>} : memref<8192xf32, #tpu.memory_space<vmem>>, vector<16xf32>,
      %max3A_290 = arith.maximumf %scan3A_265, %get3A_289 : vector<16xf32>
      %add3A_291 = arith.constant 32 : i32
      %add3A_292 = arith.addi %mul3A_281, %add3A_291 : i32
      %get3A_293 = arith.index_cast %add3A_292 : i32 to index
      %get3A_294 = tpu.vector_load %arg5[%get3A_293] {strides = array<i32>} : memref<8192xf32, #tpu.memory_space<vmem>>, vector<16xf32>,
      %max3A_295 = arith.maximumf %scan3A_266, %get3A_294 : vector<16xf32>
      %add3A_296 = arith.constant 48 : i32
      %add3A_297 = arith.addi %mul3A_281, %add3A_296 : i32
      %get3A_298 = arith.index_cast %add3A_297 : i32 to index
      %get3A_299 = tpu.vector_load %arg5[%get3A_298] {strides = array<i32>} : memref<8192xf32, #tpu.memory_space<vmem>>, vector<16xf32>,
      %max3A_300 = arith.maximumf %scan3A_267, %get3A_299 : vector<16xf32>
      %add3A_301 = arith.constant 64 : i32
      %add3A_302 = arith.addi %mul3A_281, %add3A_301 : i32
      %get3A_303 = arith.index_cast %add3A_302 : i32 to index
      %get3A_304 = tpu.vector_load %arg5[%get3A_303] {strides = array<i32>} : memref<8192xf32, #tpu.memory_space<vmem>>, vector<16xf32>,
      %max3A_305 = arith.maximumf %scan3A_268, %get3A_304 : vector<16xf32>
      %add3A_306 = arith.constant 80 : i32
      %add3A_307 = arith.addi %mul3A_281, %add3A_306 : i32
      %get3A_308 = arith.index_cast %add3A_307 : i32 to index
      %get3A_309 = tpu.vector_load %arg5[%get3A_308] {strides = array<i32>} : memref<8192xf32, #tpu.memory_space<vmem>>, vector<16xf32>,
      %max3A_310 = arith.maximumf %scan3A_269, %get3A_309 : vector<16xf32>
      %add3A_311 = arith.constant 96 : i32
      %add3A_312 = arith.addi %mul3A_281, %add3A_311 : i32
      %get3A_313 = arith.index_cast %add3A_312 : i32 to index
      %get3A_314 = tpu.vector_load %arg5[%get3A_313] {strides = array<i32>} : memref<8192xf32, #tpu.memory_space<vmem>>, vector<16xf32>,
      %max3A_315 = arith.maximumf %scan3A_270, %get3A_314 : vector<16xf32>
      %add3A_316 = arith.constant 112 : i32
      %add3A_317 = arith.addi %mul3A_281, %add3A_316 : i32
      %get3A_318 = arith.index_cast %add3A_317 : i32 to index
      %get3A_319 = tpu.vector_load %arg5[%get3A_318] {strides = array<i32>} : memref<8192xf32, #tpu.memory_space<vmem>>, vector<16xf32>,
      %max3A_320 = arith.maximumf %scan3A_271, %get3A_319 : vector<16xf32>
      %add3A_321 = arith.constant 128 : i32
      %add3A_322 = arith.addi %mul3A_281, %add3A_321 : i32
      %get3A_323 = arith.index_cast %add3A_322 : i32 to index
      %get3A_324 = tpu.vector_load %arg5[%get3A_323] {strides = array<i32>} : memref<8192xf32, #tpu.memory_space<vmem>>, vector<16xf32>,
      %max3A_325 = arith.maximumf %scan3A_272, %get3A_324 : vector<16xf32>
      %add3A_326 = arith.constant 144 : i32
      %add3A_327 = arith.addi %mul3A_281, %add3A_326 : i32
      %get3A_328 = arith.index_cast %add3A_327 : i32 to index
      %get3A_329 = tpu.vector_load %arg5[%get3A_328] {strides = array<i32>} : memref<8192xf32, #tpu.memory_space<vmem>>, vector<16xf32>,
      %max3A_330 = arith.maximumf %scan3A_273, %get3A_329 : vector<16xf32>
      %add3A_331 = arith.constant 160 : i32
      %add3A_332 = arith.addi %mul3A_281, %add3A_331 : i32
      %get3A_333 = arith.index_cast %add3A_332 : i32 to index
      %get3A_334 = tpu.vector_load %arg5[%get3A_333] {strides = array<i32>} : memref<8192xf32, #tpu.memory_space<vmem>>, vector<16xf32>,
      %max3A_335 = arith.maximumf %scan3A_274, %get3A_334 : vector<16xf32>
      %add3A_336 = arith.constant 176 : i32
      %add3A_337 = arith.addi %mul3A_281, %add3A_336 : i32
      %get3A_338 = arith.index_cast %add3A_337 : i32 to index
      %get3A_339 = tpu.vector_load %arg5[%get3A_338] {strides = array<i32>} : memref<8192xf32, #tpu.memory_space<vmem>>, vector<16xf32>,
      %max3A_340 = arith.maximumf %scan3A_275, %get3A_339 : vector<16xf32>
      %add3A_341 = arith.constant 192 : i32
      %add3A_342 = arith.addi %mul3A_281, %add3A_341 : i32
      %get3A_343 = arith.index_cast %add3A_342 : i32 to index
      %get3A_344 = tpu.vector_load %arg5[%get3A_343] {strides = array<i32>} : memref<8192xf32, #tpu.memory_space<vmem>>, vector<16xf32>,
      %max3A_345 = arith.maximumf %scan3A_276, %get3A_344 : vector<16xf32>
      %add3A_346 = arith.constant 208 : i32
      %add3A_347 = arith.addi %mul3A_281, %add3A_346 : i32
      %get3A_348 = arith.index_cast %add3A_347 : i32 to index
      %get3A_349 = tpu.vector_load %arg5[%get3A_348] {strides = array<i32>} : memref<8192xf32, #tpu.memory_space<vmem>>, vector<16xf32>,
      %max3A_350 = arith.maximumf %scan3A_277, %get3A_349 : vector<16xf32>
      %add3A_351 = arith.constant 224 : i32
      %add3A_352 = arith.addi %mul3A_281, %add3A_351 : i32
      %get3A_353 = arith.index_cast %add3A_352 : i32 to index
      %get3A_354 = tpu.vector_load %arg5[%get3A_353] {strides = array<i32>} : memref<8192xf32, #tpu.memory_space<vmem>>, vector<16xf32>,
      %max3A_355 = arith.maximumf %scan3A_278, %get3A_354 : vector<16xf32>
      %add3A_356 = arith.constant 240 : i32
      %add3A_357 = arith.addi %mul3A_281, %add3A_356 : i32
      %get3A_358 = arith.index_cast %add3A_357 : i32 to index
      %get3A_359 = tpu.vector_load %arg5[%get3A_358] {strides = array<i32>} : memref<8192xf32, #tpu.memory_space<vmem>>, vector<16xf32>,
      %max3A_360 = arith.maximumf %scan3A_279, %get3A_359 : vector<16xf32>
      scf.yield %max3A_285, %max3A_290, %max3A_295, %max3A_300, %max3A_305, %max3A_310, %max3A_315, %max3A_320, %max3A_325, %max3A_330, %max3A_335, %max3A_340, %max3A_345, %max3A_350, %max3A_355, %max3A_360 : vector<16xf32>, vector<16xf32>, vector<16xf32>, vector<16xf32>, vector<16xf32>, vector<16xf32>, vector<16xf32>, vector<16xf32>, vector<16xf32>, vector<16xf32>, vector<16xf32>, vector<16xf32>, vector<16xf32>, vector<16xf32>, vector<16xf32>, vector<16xf32>
    }
    %scan3A_170 = arith.constant 32 : i32
    %max3A_171 = arith.maximumf %scan3A_169#0, %scan3A_169#1 : vector<16xf32>
    %max3A_172 = arith.maximumf %max3A_171, %scan3A_169#2 : vector<16xf32>
    %max3A_173 = arith.maximumf %max3A_172, %scan3A_169#3 : vector<16xf32>
    %max3A_174 = arith.maximumf %max3A_173, %scan3A_169#4 : vector<16xf32>
    %max3A_175 = arith.maximumf %max3A_174, %scan3A_169#5 : vector<16xf32>
    %max3A_176 = arith.maximumf %max3A_175, %scan3A_169#6 : vector<16xf32>
    %max3A_177 = arith.maximumf %max3A_176, %scan3A_169#7 : vector<16xf32>
    %max3A_178 = arith.maximumf %max3A_177, %scan3A_169#8 : vector<16xf32>
    %max3A_179 = arith.maximumf %max3A_178, %scan3A_169#9 : vector<16xf32>
    %max3A_180 = arith.maximumf %max3A_179, %scan3A_169#10 : vector<16xf32>
    %max3A_181 = arith.maximumf %max3A_180, %scan3A_169#11 : vector<16xf32>
    %max3A_182 = arith.maximumf %max3A_181, %scan3A_169#12 : vector<16xf32>
    %max3A_183 = arith.maximumf %max3A_182, %scan3A_169#13 : vector<16xf32>
    %max3A_184 = arith.maximumf %max3A_183, %scan3A_169#14 : vector<16xf32>
    %max3A_185 = arith.maximumf %max3A_184, %scan3A_169#15 : vector<16xf32>
    %reduce_max3A_186 = arith.constant true
    %reduce_max3A_187 = vector.broadcast %reduce_max3A_186 : i1 to vector<16xi1>
    %reduce_max3A_188 = tpu.scan <max>, %max3A_185 masked %reduce_max3A_187 : vector<16xf32>, vector<16xi1> -> vector<16xf32>
    %reduce_max3A_189 = vector.extract %reduce_max3A_188[15] : f32 from vector<16xf32>
    %sub3A_190 = arith.constant 1.000000e+00 : f32
    %sub3A_191 = arith.subf %reduce_max3A_189, %sub3A_190 : f32
    %scan3A_192 = arith.constant 0 : i32
    %scan3A_193 = arith.constant 0 : i32
    %scan3A_194 = arith.constant 32 : i32
    %scan3A_195 = arith.addi %scan3A_193, %scan3A_194 : i32
    %scan3A_196 = arith.constant 1 : i32
    %scan3A_197 = scf.for %scan3A_263 = %scan3A_193 to %scan3A_195 step %scan3A_196 iter_args(%scan3A_264 = %scan3A_192) -> (i32)  : i32 {
      %mul3A_265 = arith.constant 256 : i32
      %mul3A_266 = arith.muli %scan3A_263, %mul3A_265 : i32
      %add3A_267 = arith.constant 0 : i32
      %add3A_268 = arith.addi %mul3A_266, %add3A_267 : i32
      %get3A = arith.index_cast %add3A_268 : i32 to index
      %get3A_269 = tpu.vector_load %arg5[%get3A] {strides = array<i32>} : memref<8192xf32, #tpu.memory_space<vmem>>, vector<16xf32>,
      %add3A_270 = arith.constant 16 : i32
      %add3A_271 = arith.addi %mul3A_266, %add3A_270 : i32
      %get3A_272 = arith.index_cast %add3A_271 : i32 to index
      %get3A_273 = tpu.vector_load %arg5[%get3A_272] {strides = array<i32>} : memref<8192xf32, #tpu.memory_space<vmem>>, vector<16xf32>,
      %add3A_274 = arith.constant 32 : i32
      %add3A_275 = arith.addi %mul3A_266, %add3A_274 : i32
      %get3A_276 = arith.index_cast %add3A_275 : i32 to index
      %get3A_277 = tpu.vector_load %arg5[%get3A_276] {strides = array<i32>} : memref<8192xf32, #tpu.memory_space<vmem>>, vector<16xf32>,
      %add3A_278 = arith.constant 48 : i32
      %add3A_279 = arith.addi %mul3A_266, %add3A_278 : i32
      %get3A_280 = arith.index_cast %add3A_279 : i32 to index
      %get3A_281 = tpu.vector_load %arg5[%get3A_280] {strides = array<i32>} : memref<8192xf32, #tpu.memory_space<vmem>>, vector<16xf32>,
      %add3A_282 = arith.constant 64 : i32
      %add3A_283 = arith.addi %mul3A_266, %add3A_282 : i32
      %get3A_284 = arith.index_cast %add3A_283 : i32 to index
      %get3A_285 = tpu.vector_load %arg5[%get3A_284] {strides = array<i32>} : memref<8192xf32, #tpu.memory_space<vmem>>, vector<16xf32>,
      %add3A_286 = arith.constant 80 : i32
      %add3A_287 = arith.addi %mul3A_266, %add3A_286 : i32
      %get3A_288 = arith.index_cast %add3A_287 : i32 to index
      %get3A_289 = tpu.vector_load %arg5[%get3A_288] {strides = array<i32>} : memref<8192xf32, #tpu.memory_space<vmem>>, vector<16xf32>,
      %add3A_290 = arith.constant 96 : i32
      %add3A_291 = arith.addi %mul3A_266, %add3A_290 : i32
      %get3A_292 = arith.index_cast %add3A_291 : i32 to index
      %get3A_293 = tpu.vector_load %arg5[%get3A_292] {strides = array<i32>} : memref<8192xf32, #tpu.memory_space<vmem>>, vector<16xf32>,
      %add3A_294 = arith.constant 112 : i32
      %add3A_295 = arith.addi %mul3A_266, %add3A_294 : i32
      %get3A_296 = arith.index_cast %add3A_295 : i32 to index
      %get3A_297 = tpu.vector_load %arg5[%get3A_296] {strides = array<i32>} : memref<8192xf32, #tpu.memory_space<vmem>>, vector<16xf32>,
      %add3A_298 = arith.constant 128 : i32
      %add3A_299 = arith.addi %mul3A_266, %add3A_298 : i32
      %get3A_300 = arith.index_cast %add3A_299 : i32 to index
      %get3A_301 = tpu.vector_load %arg5[%get3A_300] {strides = array<i32>} : memref<8192xf32, #tpu.memory_space<vmem>>, vector<16xf32>,
      %add3A_302 = arith.constant 144 : i32
      %add3A_303 = arith.addi %mul3A_266, %add3A_302 : i32
      %get3A_304 = arith.index_cast %add3A_303 : i32 to index
      %get3A_305 = tpu.vector_load %arg5[%get3A_304] {strides = array<i32>} : memref<8192xf32, #tpu.memory_space<vmem>>, vector<16xf32>,
      %add3A_306 = arith.constant 160 : i32
      %add3A_307 = arith.addi %mul3A_266, %add3A_306 : i32
      %get3A_308 = arith.index_cast %add3A_307 : i32 to index
      %get3A_309 = tpu.vector_load %arg5[%get3A_308] {strides = array<i32>} : memref<8192xf32, #tpu.memory_space<vmem>>, vector<16xf32>,
      %add3A_310 = arith.constant 176 : i32
      %add3A_311 = arith.addi %mul3A_266, %add3A_310 : i32
      %get3A_312 = arith.index_cast %add3A_311 : i32 to index
      %get3A_313 = tpu.vector_load %arg5[%get3A_312] {strides = array<i32>} : memref<8192xf32, #tpu.memory_space<vmem>>, vector<16xf32>,
      %add3A_314 = arith.constant 192 : i32
      %add3A_315 = arith.addi %mul3A_266, %add3A_314 : i32
      %get3A_316 = arith.index_cast %add3A_315 : i32 to index
      %get3A_317 = tpu.vector_load %arg5[%get3A_316] {strides = array<i32>} : memref<8192xf32, #tpu.memory_space<vmem>>, vector<16xf32>,
      %add3A_318 = arith.constant 208 : i32
      %add3A_319 = arith.addi %mul3A_266, %add3A_318 : i32
      %get3A_320 = arith.index_cast %add3A_319 : i32 to index
      %get3A_321 = tpu.vector_load %arg5[%get3A_320] {strides = array<i32>} : memref<8192xf32, #tpu.memory_space<vmem>>, vector<16xf32>,
      %add3A_322 = arith.constant 224 : i32
      %add3A_323 = arith.addi %mul3A_266, %add3A_322 : i32
      %get3A_324 = arith.index_cast %add3A_323 : i32 to index
      %get3A_325 = tpu.vector_load %arg5[%get3A_324] {strides = array<i32>} : memref<8192xf32, #tpu.memory_space<vmem>>, vector<16xf32>,
      %add3A_326 = arith.constant 240 : i32
      %add3A_327 = arith.addi %mul3A_266, %add3A_326 : i32
      %get3A_328 = arith.index_cast %add3A_327 : i32 to index
      %get3A_329 = tpu.vector_load %arg5[%get3A_328] {strides = array<i32>} : memref<8192xf32, #tpu.memory_space<vmem>>, vector<16xf32>,
      %gt3A = vector.broadcast %sub3A_191 : f32 to vector<16xf32>
      %gt3A_330 = arith.cmpf ogt, %get3A_269, %gt3A : vector<16xf32>
      %gt3A_331 = vector.broadcast %sub3A_191 : f32 to vector<16xf32>
      %gt3A_332 = arith.cmpf ogt, %get3A_273, %gt3A_331 : vector<16xf32>
      %gt3A_333 = vector.broadcast %sub3A_191 : f32 to vector<16xf32>
      %gt3A_334 = arith.cmpf ogt, %get3A_277, %gt3A_333 : vector<16xf32>
      %gt3A_335 = vector.broadcast %sub3A_191 : f32 to vector<16xf32>
      %gt3A_336 = arith.cmpf ogt, %get3A_281, %gt3A_335 : vector<16xf32>
      %gt3A_337 = vector.broadcast %sub3A_191 : f32 to vector<16xf32>
      %gt3A_338 = arith.cmpf ogt, %get3A_285, %gt3A_337 : vector<16xf32>
      %gt3A_339 = vector.broadcast %sub3A_191 : f32 to vector<16xf32>
      %gt3A_340 = arith.cmpf ogt, %get3A_289, %gt3A_339 : vector<16xf32>
      %gt3A_341 = vector.broadcast %sub3A_191 : f32 to vector<16xf32>
      %gt3A_342 = arith.cmpf ogt, %get3A_293, %gt3A_341 : vector<16xf32>
      %gt3A_343 = vector.broadcast %sub3A_191 : f32 to vector<16xf32>
      %gt3A_344 = arith.cmpf ogt, %get3A_297, %gt3A_343 : vector<16xf32>
      %gt3A_345 = vector.broadcast %sub3A_191 : f32 to vector<16xf32>
      %gt3A_346 = arith.cmpf ogt, %get3A_301, %gt3A_345 : vector<16xf32>
      %gt3A_347 = vector.broadcast %sub3A_191 : f32 to vector<16xf32>
      %gt3A_348 = arith.cmpf ogt, %get3A_305, %gt3A_347 : vector<16xf32>
      %gt3A_349 = vector.broadcast %sub3A_191 : f32 to vector<16xf32>
      %gt3A_350 = arith.cmpf ogt, %get3A_309, %gt3A_349 : vector<16xf32>
      %gt3A_351 = vector.broadcast %sub3A_191 : f32 to vector<16xf32>
      %gt3A_352 = arith.cmpf ogt, %get3A_313, %gt3A_351 : vector<16xf32>
      %gt3A_353 = vector.broadcast %sub3A_191 : f32 to vector<16xf32>
      %gt3A_354 = arith.cmpf ogt, %get3A_317, %gt3A_353 : vector<16xf32>
      %gt3A_355 = vector.broadcast %sub3A_191 : f32 to vector<16xf32>
      %gt3A_356 = arith.cmpf ogt, %get3A_321, %gt3A_355 : vector<16xf32>
      %gt3A_357 = vector.broadcast %sub3A_191 : f32 to vector<16xf32>
      %gt3A_358 = arith.cmpf ogt, %get3A_325, %gt3A_357 : vector<16xf32>
      %gt3A_359 = vector.broadcast %sub3A_191 : f32 to vector<16xf32>
      %gt3A_360 = arith.cmpf ogt, %get3A_329, %gt3A_359 : vector<16xf32>
      %all_reduce_population_count3A = tpu.all_reduce %gt3A_330 {dim = 0 : i64, kind = #tpu.reduction_kind<sum>} : vector<16xi1> -> vector<16xi32>
      %slice3A = vector.extract_strided_slice %all_reduce_population_count3A {offsets = [0], sizes = [1], strides = [1]} : vector<16xi32> to vector<1xi32>
      %squeeze3A = vector.extract %slice3A[0] : i32 from vector<1xi32>
      %all_reduce_population_count3A_361 = tpu.all_reduce %gt3A_332 {dim = 0 : i64, kind = #tpu.reduction_kind<sum>} : vector<16xi1> -> vector<16xi32>
      %slice3A_362 = vector.extract_strided_slice %all_reduce_population_count3A_361 {offsets = [0], sizes = [1], strides = [1]} : vector<16xi32> to vector<1xi32>
      %squeeze3A_363 = vector.extract %slice3A_362[0] : i32 from vector<1xi32>
      %all_reduce_population_count3A_364 = tpu.all_reduce %gt3A_334 {dim = 0 : i64, kind = #tpu.reduction_kind<sum>} : vector<16xi1> -> vector<16xi32>
      %slice3A_365 = vector.extract_strided_slice %all_reduce_population_count3A_364 {offsets = [0], sizes = [1], strides = [1]} : vector<16xi32> to vector<1xi32>
      %squeeze3A_366 = vector.extract %slice3A_365[0] : i32 from vector<1xi32>
      %all_reduce_population_count3A_367 = tpu.all_reduce %gt3A_336 {dim = 0 : i64, kind = #tpu.reduction_kind<sum>} : vector<16xi1> -> vector<16xi32>
      %slice3A_368 = vector.extract_strided_slice %all_reduce_population_count3A_367 {offsets = [0], sizes = [1], strides = [1]} : vector<16xi32> to vector<1xi32>
      %squeeze3A_369 = vector.extract %slice3A_368[0] : i32 from vector<1xi32>
      %all_reduce_population_count3A_370 = tpu.all_reduce %gt3A_338 {dim = 0 : i64, kind = #tpu.reduction_kind<sum>} : vector<16xi1> -> vector<16xi32>
      %slice3A_371 = vector.extract_strided_slice %all_reduce_population_count3A_370 {offsets = [0], sizes = [1], strides = [1]} : vector<16xi32> to vector<1xi32>
      %squeeze3A_372 = vector.extract %slice3A_371[0] : i32 from vector<1xi32>
      %all_reduce_population_count3A_373 = tpu.all_reduce %gt3A_340 {dim = 0 : i64, kind = #tpu.reduction_kind<sum>} : vector<16xi1> -> vector<16xi32>
      %slice3A_374 = vector.extract_strided_slice %all_reduce_population_count3A_373 {offsets = [0], sizes = [1], strides = [1]} : vector<16xi32> to vector<1xi32>
      %squeeze3A_375 = vector.extract %slice3A_374[0] : i32 from vector<1xi32>
      %all_reduce_population_count3A_376 = tpu.all_reduce %gt3A_342 {dim = 0 : i64, kind = #tpu.reduction_kind<sum>} : vector<16xi1> -> vector<16xi32>
      %slice3A_377 = vector.extract_strided_slice %all_reduce_population_count3A_376 {offsets = [0], sizes = [1], strides = [1]} : vector<16xi32> to vector<1xi32>
      %squeeze3A_378 = vector.extract %slice3A_377[0] : i32 from vector<1xi32>
      %all_reduce_population_count3A_379 = tpu.all_reduce %gt3A_344 {dim = 0 : i64, kind = #tpu.reduction_kind<sum>} : vector<16xi1> -> vector<16xi32>
      %slice3A_380 = vector.extract_strided_slice %all_reduce_population_count3A_379 {offsets = [0], sizes = [1], strides = [1]} : vector<16xi32> to vector<1xi32>
      %squeeze3A_381 = vector.extract %slice3A_380[0] : i32 from vector<1xi32>
      %all_reduce_population_count3A_382 = tpu.all_reduce %gt3A_346 {dim = 0 : i64, kind = #tpu.reduction_kind<sum>} : vector<16xi1> -> vector<16xi32>
      %slice3A_383 = vector.extract_strided_slice %all_reduce_population_count3A_382 {offsets = [0], sizes = [1], strides = [1]} : vector<16xi32> to vector<1xi32>
      %squeeze3A_384 = vector.extract %slice3A_383[0] : i32 from vector<1xi32>
      %all_reduce_population_count3A_385 = tpu.all_reduce %gt3A_348 {dim = 0 : i64, kind = #tpu.reduction_kind<sum>} : vector<16xi1> -> vector<16xi32>
      %slice3A_386 = vector.extract_strided_slice %all_reduce_population_count3A_385 {offsets = [0], sizes = [1], strides = [1]} : vector<16xi32> to vector<1xi32>
      %squeeze3A_387 = vector.extract %slice3A_386[0] : i32 from vector<1xi32>
      %all_reduce_population_count3A_388 = tpu.all_reduce %gt3A_350 {dim = 0 : i64, kind = #tpu.reduction_kind<sum>} : vector<16xi1> -> vector<16xi32>
      %slice3A_389 = vector.extract_strided_slice %all_reduce_population_count3A_388 {offsets = [0], sizes = [1], strides = [1]} : vector<16xi32> to vector<1xi32>
      %squeeze3A_390 = vector.extract %slice3A_389[0] : i32 from vector<1xi32>
      %all_reduce_population_count3A_391 = tpu.all_reduce %gt3A_352 {dim = 0 : i64, kind = #tpu.reduction_kind<sum>} : vector<16xi1> -> vector<16xi32>
      %slice3A_392 = vector.extract_strided_slice %all_reduce_population_count3A_391 {offsets = [0], sizes = [1], strides = [1]} : vector<16xi32> to vector<1xi32>
      %squeeze3A_393 = vector.extract %slice3A_392[0] : i32 from vector<1xi32>
      %all_reduce_population_count3A_394 = tpu.all_reduce %gt3A_354 {dim = 0 : i64, kind = #tpu.reduction_kind<sum>} : vector<16xi1> -> vector<16xi32>
      %slice3A_395 = vector.extract_strided_slice %all_reduce_population_count3A_394 {offsets = [0], sizes = [1], strides = [1]} : vector<16xi32> to vector<1xi32>
      %squeeze3A_396 = vector.extract %slice3A_395[0] : i32 from vector<1xi32>
      %all_reduce_population_count3A_397 = tpu.all_reduce %gt3A_356 {dim = 0 : i64, kind = #tpu.reduction_kind<sum>} : vector<16xi1> -> vector<16xi32>
      %slice3A_398 = vector.extract_strided_slice %all_reduce_population_count3A_397 {offsets = [0], sizes = [1], strides = [1]} : vector<16xi32> to vector<1xi32>
      %squeeze3A_399 = vector.extract %slice3A_398[0] : i32 from vector<1xi32>
      %all_reduce_population_count3A_400 = tpu.all_reduce %gt3A_358 {dim = 0 : i64, kind = #tpu.reduction_kind<sum>} : vector<16xi1> -> vector<16xi32>
      %slice3A_401 = vector.extract_strided_slice %all_reduce_population_count3A_400 {offsets = [0], sizes = [1], strides = [1]} : vector<16xi32> to vector<1xi32>
      %squeeze3A_402 = vector.extract %slice3A_401[0] : i32 from vector<1xi32>
      %all_reduce_population_count3A_403 = tpu.all_reduce %gt3A_360 {dim = 0 : i64, kind = #tpu.reduction_kind<sum>} : vector<16xi1> -> vector<16xi32>
      %slice3A_404 = vector.extract_strided_slice %all_reduce_population_count3A_403 {offsets = [0], sizes = [1], strides = [1]} : vector<16xi32> to vector<1xi32>
      %squeeze3A_405 = vector.extract %slice3A_404[0] : i32 from vector<1xi32>
      %swap3A_406 = arith.index_cast %scan3A_264 : i32 to index
      %swap3A_407 = tpu.vector_load %arg6[%swap3A_406] masked %gt3A_330 {strides = array<i32>} : memref<8208xf32, #tpu.memory_space<vmem>>, vector<16xf32>, vector<16xi1>
      tpu.vector_store %arg6[%swap3A_406], %get3A_269 masked %gt3A_330 {strides = array<i32>} : memref<8208xf32, #tpu.memory_space<vmem>>, vector<16xf32>, vector<16xi1>
      %add3A_408 = arith.addi %scan3A_264, %squeeze3A : i32
      %swap3A_409 = arith.index_cast %add3A_408 : i32 to index
      %swap3A_410 = tpu.vector_load %arg6[%swap3A_409] masked %gt3A_332 {strides = array<i32>} : memref<8208xf32, #tpu.memory_space<vmem>>, vector<16xf32>, vector<16xi1>
      tpu.vector_store %arg6[%swap3A_409], %get3A_273 masked %gt3A_332 {strides = array<i32>} : memref<8208xf32, #tpu.memory_space<vmem>>, vector<16xf32>, vector<16xi1>
      %add3A_411 = arith.addi %add3A_408, %squeeze3A_363 : i32
      %swap3A_412 = arith.index_cast %add3A_411 : i32 to index
      %swap3A_413 = tpu.vector_load %arg6[%swap3A_412] masked %gt3A_334 {strides = array<i32>} : memref<8208xf32, #tpu.memory_space<vmem>>, vector<16xf32>, vector<16xi1>
      tpu.vector_store %arg6[%swap3A_412], %get3A_277 masked %gt3A_334 {strides = array<i32>} : memref<8208xf32, #tpu.memory_space<vmem>>, vector<16xf32>, vector<16xi1>
      %add3A_414 = arith.addi %add3A_411, %squeeze3A_366 : i32
      %swap3A_415 = arith.index_cast %add3A_414 : i32 to index
      %swap3A_416 = tpu.vector_load %arg6[%swap3A_415] masked %gt3A_336 {strides = array<i32>} : memref<8208xf32, #tpu.memory_space<vmem>>, vector<16xf32>, vector<16xi1>
      tpu.vector_store %arg6[%swap3A_415], %get3A_281 masked %gt3A_336 {strides = array<i32>} : memref<8208xf32, #tpu.memory_space<vmem>>, vector<16xf32>, vector<16xi1>
      %add3A_417 = arith.addi %add3A_414, %squeeze3A_369 : i32
      %swap3A_418 = arith.index_cast %add3A_417 : i32 to index
      %swap3A_419 = tpu.vector_load %arg6[%swap3A_418] masked %gt3A_338 {strides = array<i32>} : memref<8208xf32, #tpu.memory_space<vmem>>, vector<16xf32>, vector<16xi1>
      tpu.vector_store %arg6[%swap3A_418], %get3A_285 masked %gt3A_338 {strides = array<i32>} : memref<8208xf32, #tpu.memory_space<vmem>>, vector<16xf32>, vector<16xi1>
      %add3A_420 = arith.addi %add3A_417, %squeeze3A_372 : i32
      %swap3A_421 = arith.index_cast %add3A_420 : i32 to index
      %swap3A_422 = tpu.vector_load %arg6[%swap3A_421] masked %gt3A_340 {strides = array<i32>} : memref<8208xf32, #tpu.memory_space<vmem>>, vector<16xf32>, vector<16xi1>
      tpu.vector_store %arg6[%swap3A_421], %get3A_289 masked %gt3A_340 {strides = array<i32>} : memref<8208xf32, #tpu.memory_space<vmem>>, vector<16xf32>, vector<16xi1>
      %add3A_423 = arith.addi %add3A_420, %squeeze3A_375 : i32
      %swap3A_424 = arith.index_cast %add3A_423 : i32 to index
      %swap3A_425 = tpu.vector_load %arg6[%swap3A_424] masked %gt3A_342 {strides = array<i32>} : memref<8208xf32, #tpu.memory_space<vmem>>, vector<16xf32>, vector<16xi1>
      tpu.vector_store %arg6[%swap3A_424], %get3A_293 masked %gt3A_342 {strides = array<i32>} : memref<8208xf32, #tpu.memory_space<vmem>>, vector<16xf32>, vector<16xi1>
      %add3A_426 = arith.addi %add3A_423, %squeeze3A_378 : i32
      %swap3A_427 = arith.index_cast %add3A_426 : i32 to index
      %swap3A_428 = tpu.vector_load %arg6[%swap3A_427] masked %gt3A_344 {strides = array<i32>} : memref<8208xf32, #tpu.memory_space<vmem>>, vector<16xf32>, vector<16xi1>
      tpu.vector_store %arg6[%swap3A_427], %get3A_297 masked %gt3A_344 {strides = array<i32>} : memref<8208xf32, #tpu.memory_space<vmem>>, vector<16xf32>, vector<16xi1>
      %add3A_429 = arith.addi %add3A_426, %squeeze3A_381 : i32
      %swap3A_430 = arith.index_cast %add3A_429 : i32 to index
      %swap3A_431 = tpu.vector_load %arg6[%swap3A_430] masked %gt3A_346 {strides = array<i32>} : memref<8208xf32, #tpu.memory_space<vmem>>, vector<16xf32>, vector<16xi1>
      tpu.vector_store %arg6[%swap3A_430], %get3A_301 masked %gt3A_346 {strides = array<i32>} : memref<8208xf32, #tpu.memory_space<vmem>>, vector<16xf32>, vector<16xi1>
      %add3A_432 = arith.addi %add3A_429, %squeeze3A_384 : i32
      %swap3A_433 = arith.index_cast %add3A_432 : i32 to index
      %swap3A_434 = tpu.vector_load %arg6[%swap3A_433] masked %gt3A_348 {strides = array<i32>} : memref<8208xf32, #tpu.memory_space<vmem>>, vector<16xf32>, vector<16xi1>
      tpu.vector_store %arg6[%swap3A_433], %get3A_305 masked %gt3A_348 {strides = array<i32>} : memref<8208xf32, #tpu.memory_space<vmem>>, vector<16xf32>, vector<16xi1>
      %add3A_435 = arith.addi %add3A_432, %squeeze3A_387 : i32
      %swap3A_436 = arith.index_cast %add3A_435 : i32 to index
      %swap3A_437 = tpu.vector_load %arg6[%swap3A_436] masked %gt3A_350 {strides = array<i32>} : memref<8208xf32, #tpu.memory_space<vmem>>, vector<16xf32>, vector<16xi1>
      tpu.vector_store %arg6[%swap3A_436], %get3A_309 masked %gt3A_350 {strides = array<i32>} : memref<8208xf32, #tpu.memory_space<vmem>>, vector<16xf32>, vector<16xi1>
      %add3A_438 = arith.addi %add3A_435, %squeeze3A_390 : i32
      %swap3A_439 = arith.index_cast %add3A_438 : i32 to index
      %swap3A_440 = tpu.vector_load %arg6[%swap3A_439] masked %gt3A_352 {strides = array<i32>} : memref<8208xf32, #tpu.memory_space<vmem>>, vector<16xf32>, vector<16xi1>
      tpu.vector_store %arg6[%swap3A_439], %get3A_313 masked %gt3A_352 {strides = array<i32>} : memref<8208xf32, #tpu.memory_space<vmem>>, vector<16xf32>, vector<16xi1>
      %add3A_441 = arith.addi %add3A_438, %squeeze3A_393 : i32
      %swap3A_442 = arith.index_cast %add3A_441 : i32 to index
      %swap3A_443 = tpu.vector_load %arg6[%swap3A_442] masked %gt3A_354 {strides = array<i32>} : memref<8208xf32, #tpu.memory_space<vmem>>, vector<16xf32>, vector<16xi1>
      tpu.vector_store %arg6[%swap3A_442], %get3A_317 masked %gt3A_354 {strides = array<i32>} : memref<8208xf32, #tpu.memory_space<vmem>>, vector<16xf32>, vector<16xi1>
      %add3A_444 = arith.addi %add3A_441, %squeeze3A_396 : i32
      %swap3A_445 = arith.index_cast %add3A_444 : i32 to index
      %swap3A_446 = tpu.vector_load %arg6[%swap3A_445] masked %gt3A_356 {strides = array<i32>} : memref<8208xf32, #tpu.memory_space<vmem>>, vector<16xf32>, vector<16xi1>
      tpu.vector_store %arg6[%swap3A_445], %get3A_321 masked %gt3A_356 {strides = array<i32>} : memref<8208xf32, #tpu.memory_space<vmem>>, vector<16xf32>, vector<16xi1>
      %add3A_447 = arith.addi %add3A_444, %squeeze3A_399 : i32
      %swap3A_448 = arith.index_cast %add3A_447 : i32 to index
      %swap3A_449 = tpu.vector_load %arg6[%swap3A_448] masked %gt3A_358 {strides = array<i32>} : memref<8208xf32, #tpu.memory_space<vmem>>, vector<16xf32>, vector<16xi1>
      tpu.vector_store %arg6[%swap3A_448], %get3A_325 masked %gt3A_358 {strides = array<i32>} : memref<8208xf32, #tpu.memory_space<vmem>>, vector<16xf32>, vector<16xi1>
      %add3A_450 = arith.addi %add3A_447, %squeeze3A_402 : i32
      %swap3A_451 = arith.index_cast %add3A_450 : i32 to index
      %swap3A_452 = tpu.vector_load %arg6[%swap3A_451] masked %gt3A_360 {strides = array<i32>} : memref<8208xf32, #tpu.memory_space<vmem>>, vector<16xf32>, vector<16xi1>
      tpu.vector_store %arg6[%swap3A_451], %get3A_329 masked %gt3A_360 {strides = array<i32>} : memref<8208xf32, #tpu.memory_space<vmem>>, vector<16xf32>, vector<16xi1>
      %add3A_453 = arith.addi %add3A_450, %squeeze3A_405 : i32
      scf.yield %add3A_453 : i32
    }
    %scan3A_198 = arith.constant 32 : i32
    %broadcast_in_dim3A_199 = arith.constant -1.000000e+30 : f32
    %broadcast_in_dim3A_200 = vector.broadcast %broadcast_in_dim3A_199 : f32 to vector<16xf32>
    %swap3A_201 = arith.index_cast %scan3A_197 : i32 to index
    %swap3A_202 = tpu.vector_load %arg6[%swap3A_201] {strides = array<i32>} : memref<8208xf32, #tpu.memory_space<vmem>>, vector<16xf32>,
    tpu.vector_store %arg6[%swap3A_201], %broadcast_in_dim3A_200 {strides = array<i32>} : memref<8208xf32, #tpu.memory_space<vmem>>, vector<16xf32>,
    %add3A_203 = arith.constant 16 : i32
    %add3A_204 = arith.addi %scan3A_197, %add3A_203 : i32
    %sub3A_205 = arith.constant 1 : i32
    %sub3A_206 = arith.subi %add3A_204, %sub3A_205 : i32
    %jit3A_207 = arith.constant 16 : i32
    %div3A_208 = arith.divsi %sub3A_206, %jit3A_207 : i32
    %sign3A_209 = arith.constant 0 : i32
    %sign3A_210 = arith.cmpi sgt, %sub3A_206, %sign3A_209 : i32
    %sign3A_211 = arith.extui %sign3A_210 : i1 to i32
    %sign3A_212 = arith.constant 0 : i32
    %sign3A_213 = arith.cmpi slt, %sub3A_206, %sign3A_212 : i32
    %sign3A_214 = arith.extui %sign3A_213 : i1 to i32
    %sign3A_215 = arith.subi %sign3A_211, %sign3A_214 : i32
    %sign3A_216 = arith.constant 0 : i32
    %sign3A_217 = arith.cmpi sgt, %jit3A_207, %sign3A_216 : i32
    %sign3A_218 = arith.extui %sign3A_217 : i1 to i32
    %sign3A_219 = arith.constant 0 : i32
    %sign3A_220 = arith.cmpi slt, %jit3A_207, %sign3A_219 : i32
    %sign3A_221 = arith.extui %sign3A_220 : i1 to i32
    %sign3A_222 = arith.subi %sign3A_218, %sign3A_221 : i32
    %ne3A_223 = arith.cmpi ne, %sign3A_215, %sign3A_222 : i32
    %rem3A_224 = arith.remsi %sub3A_206, %jit3A_207 : i32
    %ne3A_225 = arith.constant 0 : i32
    %ne3A_226 = arith.cmpi ne, %rem3A_224, %ne3A_225 : i32
    %and3A_227 = arith.andi %ne3A_223, %ne3A_226 : i1
    %sub3A_228 = arith.constant 1 : i32
    %sub3A_229 = arith.subi %div3A_208, %sub3A_228 : i32
    %select_n3A_230 = arith.select %and3A_227, %sub3A_229, %div3A_208 : i32
    %broadcast_in_dim3A_231 = arith.constant 0 : i32
    %broadcast_in_dim3A_232 = vector.broadcast %broadcast_in_dim3A_231 : i32 to vector<16xi32>
    %broadcast_in_dim3A_233 = vector.broadcast %sub3A_191 : f32 to vector<16xf32>
    %while3A_234 = arith.constant true
    %while3A_235 = arith.constant 0 : i32
    %while3A_236:4 = scf.while (%while3A_263 = %while3A_234, %while3A_264 = %while3A_235, %while3A_265 = %broadcast_in_dim3A_232, %while3A_266 = %broadcast_in_dim3A_233) : (i1, i32, vector<16xi32>, vector<16xf32>) -> (i1, i32, vector<16xi32>, vector<16xf32>) {
      %lt3A = arith.constant 512 : i32
      %lt3A_267 = arith.cmpi slt, %while3A_264, %lt3A : i32
      %and3A_268 = arith.andi %while3A_263, %lt3A_267 : i1
      scf.condition(%and3A_268) %while3A_263, %while3A_264, %while3A_265, %while3A_266 : i1, i32, vector<16xi32>, vector<16xf32>
    } do {
    ^bb0(%while3A_263: i1, %while3A_264: i32, %while3A_265: vector<16xi32>, %while3A_266: vector<16xf32>):
      %broadcast_in_dim3A_267 = arith.constant 0 : i32
      %broadcast_in_dim3A_268 = vector.broadcast %broadcast_in_dim3A_267 : i32 to vector<16xi32>
      %broadcast_in_dim3A_269 = arith.constant 0.000000e+00 : f32
      %broadcast_in_dim3A_270 = vector.broadcast %broadcast_in_dim3A_269 : f32 to vector<16xf32>
      %while3A_271 = arith.constant 0 : i32
      %while3A_272 = arith.subi %select_n3A_230, %while3A_271 : i32
      %while3A_273 = arith.addi %while3A_271, %while3A_272 : i32
      %while3A_274 = arith.constant 1 : i32
      %while3A_275 = arith.divsi %while3A_272, %while3A_274 : i32
      %while3A_276 = arith.muli %while3A_275, %while3A_274 : i32
      %while3A_277 = arith.addi %while3A_271, %while3A_276 : i32
      %while3A_278 = arith.constant 1 : i32
      %while3A_279:2 = scf.for %while3A_302 = %while3A_271 to %while3A_277 step %while3A_278 iter_args(%while3A_303 = %broadcast_in_dim3A_268, %while3A_304 = %broadcast_in_dim3A_270) -> (vector<16xi32>, vector<16xf32>)  : i32 {
        %mul3A_305 = arith.constant 16 : i32
        %mul3A_306 = arith.muli %while3A_302, %mul3A_305 : i32
        %get3A = arith.index_cast %mul3A_306 : i32 to index
        %get3A_307 = tpu.vector_load %arg6[%get3A] {strides = array<i32>} : memref<8208xf32, #tpu.memory_space<vmem>>, vector<16xf32>,
        %gt3A = arith.cmpf ogt, %get3A_307, %while3A_266 : vector<16xf32>
        %all_reduce_population_count3A = tpu.all_reduce %gt3A {dim = 0 : i64, kind = #tpu.reduction_kind<sum>} : vector<16xi1> -> vector<16xi32>
        %add3A_308 = arith.addi %while3A_303, %all_reduce_population_count3A : vector<16xi32>
        %jit3A_309 = arith.constant 0.000000e+00 : f32
        %broadcast_in_dim3A_310 = vector.broadcast %jit3A_309 : f32 to vector<16xf32>
        %select_n3A_311 = arith.select %gt3A, %get3A_307, %broadcast_in_dim3A_310 : vector<16xi1>, vector<16xf32>
        %add3A_312 = arith.addf %while3A_304, %select_n3A_311 : vector<16xf32>
        scf.yield %add3A_308, %add3A_312 : vector<16xi32>, vector<16xf32>
      }
      %while3A_280 = arith.constant 1 : i32
      %while3A_281:2 = scf.for %while3A_302 = %while3A_277 to %while3A_273 step %while3A_280 iter_args(%while3A_303 = %while3A_279#0, %while3A_304 = %while3A_279#1) -> (vector<16xi32>, vector<16xf32>)  : i32 {
        %mul3A_305 = arith.constant 16 : i32
        %mul3A_306 = arith.muli %while3A_302, %mul3A_305 : i32
        %get3A = arith.index_cast %mul3A_306 : i32 to index
        %get3A_307 = tpu.vector_load %arg6[%get3A] {strides = array<i32>} : memref<8208xf32, #tpu.memory_space<vmem>>, vector<16xf32>,
        %gt3A = arith.cmpf ogt, %get3A_307, %while3A_266 : vector<16xf32>
        %all_reduce_population_count3A = tpu.all_reduce %gt3A {dim = 0 : i64, kind = #tpu.reduction_kind<sum>} : vector<16xi1> -> vector<16xi32>
        %add3A_308 = arith.addi %while3A_303, %all_reduce_population_count3A : vector<16xi32>
        %jit3A_309 = arith.constant 0.000000e+00 : f32
        %broadcast_in_dim3A_310 = vector.broadcast %jit3A_309 : f32 to vector<16xf32>
        %select_n3A_311 = arith.select %gt3A, %get3A_307, %broadcast_in_dim3A_310 : vector<16xi1>, vector<16xf32>
        %add3A_312 = arith.addf %while3A_304, %select_n3A_311 : vector<16xf32>
        scf.yield %add3A_308, %add3A_312 : vector<16xi32>, vector<16xf32>
      }
      %reduce_sum3A = arith.constant true
      %reduce_sum3A_282 = vector.broadcast %reduce_sum3A : i1 to vector<16xi1>
      %reduce_sum3A_283 = tpu.scan <sum>, %while3A_281#1 masked %reduce_sum3A_282 : vector<16xf32>, vector<16xi1> -> vector<16xf32>
      %reduce_sum3A_284 = vector.extract %reduce_sum3A_283[15] : f32 from vector<16xf32>
      %sub3A_285 = arith.constant 1.000000e+00 : f32
      %sub3A_286 = arith.subf %reduce_sum3A_284, %sub3A_285 : f32
      %broadcast_in_dim3A_287 = vector.broadcast %sub3A_286 : f32 to vector<16xf32>
      %convert_element_type3A = arith.sitofp %while3A_281#0 : vector<16xi32> to vector<16xf32>
      %div3A_288 = arith.divf %broadcast_in_dim3A_287, %convert_element_type3A : vector<16xf32>
      %ne3A_289 = arith.cmpi ne, %while3A_281#0, %while3A_265 : vector<16xi32>
      %reduce_or3A = arith.constant 1.000000e+00 : f32
      %reduce_or3A_290 = arith.constant 0.000000e+00 : f32
      %reduce_or3A_291 = vector.broadcast %reduce_or3A : f32 to vector<16xf32>
      %reduce_or3A_292 = vector.broadcast %reduce_or3A_290 : f32 to vector<16xf32>
      %reduce_or3A_293 = arith.select %ne3A_289, %reduce_or3A_291, %reduce_or3A_292 : vector<16xi1>, vector<16xf32>
      %reduce_or3A_294 = arith.constant true
      %reduce_or3A_295 = vector.broadcast %reduce_or3A_294 : i1 to vector<16xi1>
      %reduce_or3A_296 = tpu.scan <max>, %reduce_or3A_293 masked %reduce_or3A_295 : vector<16xf32>, vector<16xi1> -> vector<16xf32>
      %reduce_or3A_297 = vector.extract %reduce_or3A_296[15] : f32 from vector<16xf32>
      %reduce_or3A_298 = arith.constant 0.000000e+00 : f32
      %reduce_or3A_299 = arith.cmpf ogt, %reduce_or3A_297, %reduce_or3A_298 : f32
      %add3A_300 = arith.constant 1 : i32
      %add3A_301 = arith.addi %while3A_264, %add3A_300 : i32
      scf.yield %reduce_or3A_299, %add3A_301, %while3A_281#0, %div3A_288 : i1, i32, vector<16xi32>, vector<16xf32>
    }
    %scan3A_237 = arith.constant 0 : i32
    %scan3A_238 = arith.constant 0 : i32
    %scan3A_239 = arith.constant 32 : i32
    %scan3A_240 = arith.addi %scan3A_238, %scan3A_239 : i32
    %scan3A_241 = arith.constant 1 : i32
    scf.for %scan3A_263 = %scan3A_238 to %scan3A_240 step %scan3A_241  : i32 {
      %mul3A_264 = arith.constant 256 : i32
      %mul3A_265 = arith.muli %scan3A_263, %mul3A_264 : i32
      %add3A_266 = arith.constant 0 : i32
      %add3A_267 = arith.addi %mul3A_265, %add3A_266 : i32
      %get3A = arith.index_cast %add3A_267 : i32 to index
      %get3A_268 = tpu.vector_load %arg5[%get3A] {strides = array<i32>} : memref<8192xf32, #tpu.memory_space<vmem>>, vector<16xf32>,
      %sub3A_269 = arith.subf %get3A_268, %while3A_236#3 : vector<16xf32>
      %max3A_270 = arith.constant 0.000000e+00 : f32
      %max3A_271 = vector.broadcast %max3A_270 : f32 to vector<16xf32>
      %max3A_272 = arith.maximumf %sub3A_269, %max3A_271 : vector<16xf32>
      %swap3A_273 = arith.index_cast %add3A_267 : i32 to index
      %swap3A_274 = tpu.vector_load %arg5[%swap3A_273] {strides = array<i32>} : memref<8192xf32, #tpu.memory_space<vmem>>, vector<16xf32>,
      tpu.vector_store %arg5[%swap3A_273], %max3A_272 {strides = array<i32>} : memref<8192xf32, #tpu.memory_space<vmem>>, vector<16xf32>,
      %add3A_275 = arith.constant 16 : i32
      %add3A_276 = arith.addi %mul3A_265, %add3A_275 : i32
      %get3A_277 = arith.index_cast %add3A_276 : i32 to index
      %get3A_278 = tpu.vector_load %arg5[%get3A_277] {strides = array<i32>} : memref<8192xf32, #tpu.memory_space<vmem>>, vector<16xf32>,
      %sub3A_279 = arith.subf %get3A_278, %while3A_236#3 : vector<16xf32>
      %max3A_280 = arith.constant 0.000000e+00 : f32
      %max3A_281 = vector.broadcast %max3A_280 : f32 to vector<16xf32>
      %max3A_282 = arith.maximumf %sub3A_279, %max3A_281 : vector<16xf32>
      %swap3A_283 = arith.index_cast %add3A_276 : i32 to index
      %swap3A_284 = tpu.vector_load %arg5[%swap3A_283] {strides = array<i32>} : memref<8192xf32, #tpu.memory_space<vmem>>, vector<16xf32>,
      tpu.vector_store %arg5[%swap3A_283], %max3A_282 {strides = array<i32>} : memref<8192xf32, #tpu.memory_space<vmem>>, vector<16xf32>,
      %add3A_285 = arith.constant 32 : i32
      %add3A_286 = arith.addi %mul3A_265, %add3A_285 : i32
      %get3A_287 = arith.index_cast %add3A_286 : i32 to index
      %get3A_288 = tpu.vector_load %arg5[%get3A_287] {strides = array<i32>} : memref<8192xf32, #tpu.memory_space<vmem>>, vector<16xf32>,
      %sub3A_289 = arith.subf %get3A_288, %while3A_236#3 : vector<16xf32>
      %max3A_290 = arith.constant 0.000000e+00 : f32
      %max3A_291 = vector.broadcast %max3A_290 : f32 to vector<16xf32>
      %max3A_292 = arith.maximumf %sub3A_289, %max3A_291 : vector<16xf32>
      %swap3A_293 = arith.index_cast %add3A_286 : i32 to index
      %swap3A_294 = tpu.vector_load %arg5[%swap3A_293] {strides = array<i32>} : memref<8192xf32, #tpu.memory_space<vmem>>, vector<16xf32>,
      tpu.vector_store %arg5[%swap3A_293], %max3A_292 {strides = array<i32>} : memref<8192xf32, #tpu.memory_space<vmem>>, vector<16xf32>,
      %add3A_295 = arith.constant 48 : i32
      %add3A_296 = arith.addi %mul3A_265, %add3A_295 : i32
      %get3A_297 = arith.index_cast %add3A_296 : i32 to index
      %get3A_298 = tpu.vector_load %arg5[%get3A_297] {strides = array<i32>} : memref<8192xf32, #tpu.memory_space<vmem>>, vector<16xf32>,
      %sub3A_299 = arith.subf %get3A_298, %while3A_236#3 : vector<16xf32>
      %max3A_300 = arith.constant 0.000000e+00 : f32
      %max3A_301 = vector.broadcast %max3A_300 : f32 to vector<16xf32>
      %max3A_302 = arith.maximumf %sub3A_299, %max3A_301 : vector<16xf32>
      %swap3A_303 = arith.index_cast %add3A_296 : i32 to index
      %swap3A_304 = tpu.vector_load %arg5[%swap3A_303] {strides = array<i32>} : memref<8192xf32, #tpu.memory_space<vmem>>, vector<16xf32>,
      tpu.vector_store %arg5[%swap3A_303], %max3A_302 {strides = array<i32>} : memref<8192xf32, #tpu.memory_space<vmem>>, vector<16xf32>,
      %add3A_305 = arith.constant 64 : i32
      %add3A_306 = arith.addi %mul3A_265, %add3A_305 : i32
      %get3A_307 = arith.index_cast %add3A_306 : i32 to index
      %get3A_308 = tpu.vector_load %arg5[%get3A_307] {strides = array<i32>} : memref<8192xf32, #tpu.memory_space<vmem>>, vector<16xf32>,
      %sub3A_309 = arith.subf %get3A_308, %while3A_236#3 : vector<16xf32>
      %max3A_310 = arith.constant 0.000000e+00 : f32
      %max3A_311 = vector.broadcast %max3A_310 : f32 to vector<16xf32>
      %max3A_312 = arith.maximumf %sub3A_309, %max3A_311 : vector<16xf32>
      %swap3A_313 = arith.index_cast %add3A_306 : i32 to index
      %swap3A_314 = tpu.vector_load %arg5[%swap3A_313] {strides = array<i32>} : memref<8192xf32, #tpu.memory_space<vmem>>, vector<16xf32>,
      tpu.vector_store %arg5[%swap3A_313], %max3A_312 {strides = array<i32>} : memref<8192xf32, #tpu.memory_space<vmem>>, vector<16xf32>,
      %add3A_315 = arith.constant 80 : i32
      %add3A_316 = arith.addi %mul3A_265, %add3A_315 : i32
      %get3A_317 = arith.index_cast %add3A_316 : i32 to index
      %get3A_318 = tpu.vector_load %arg5[%get3A_317] {strides = array<i32>} : memref<8192xf32, #tpu.memory_space<vmem>>, vector<16xf32>,
      %sub3A_319 = arith.subf %get3A_318, %while3A_236#3 : vector<16xf32>
      %max3A_320 = arith.constant 0.000000e+00 : f32
      %max3A_321 = vector.broadcast %max3A_320 : f32 to vector<16xf32>
      %max3A_322 = arith.maximumf %sub3A_319, %max3A_321 : vector<16xf32>
      %swap3A_323 = arith.index_cast %add3A_316 : i32 to index
      %swap3A_324 = tpu.vector_load %arg5[%swap3A_323] {strides = array<i32>} : memref<8192xf32, #tpu.memory_space<vmem>>, vector<16xf32>,
      tpu.vector_store %arg5[%swap3A_323], %max3A_322 {strides = array<i32>} : memref<8192xf32, #tpu.memory_space<vmem>>, vector<16xf32>,
      %add3A_325 = arith.constant 96 : i32
      %add3A_326 = arith.addi %mul3A_265, %add3A_325 : i32
      %get3A_327 = arith.index_cast %add3A_326 : i32 to index
      %get3A_328 = tpu.vector_load %arg5[%get3A_327] {strides = array<i32>} : memref<8192xf32, #tpu.memory_space<vmem>>, vector<16xf32>,
      %sub3A_329 = arith.subf %get3A_328, %while3A_236#3 : vector<16xf32>
      %max3A_330 = arith.constant 0.000000e+00 : f32
      %max3A_331 = vector.broadcast %max3A_330 : f32 to vector<16xf32>
      %max3A_332 = arith.maximumf %sub3A_329, %max3A_331 : vector<16xf32>
      %swap3A_333 = arith.index_cast %add3A_326 : i32 to index
      %swap3A_334 = tpu.vector_load %arg5[%swap3A_333] {strides = array<i32>} : memref<8192xf32, #tpu.memory_space<vmem>>, vector<16xf32>,
      tpu.vector_store %arg5[%swap3A_333], %max3A_332 {strides = array<i32>} : memref<8192xf32, #tpu.memory_space<vmem>>, vector<16xf32>,
      %add3A_335 = arith.constant 112 : i32
      %add3A_336 = arith.addi %mul3A_265, %add3A_335 : i32
      %get3A_337 = arith.index_cast %add3A_336 : i32 to index
      %get3A_338 = tpu.vector_load %arg5[%get3A_337] {strides = array<i32>} : memref<8192xf32, #tpu.memory_space<vmem>>, vector<16xf32>,
      %sub3A_339 = arith.subf %get3A_338, %while3A_236#3 : vector<16xf32>
      %max3A_340 = arith.constant 0.000000e+00 : f32
      %max3A_341 = vector.broadcast %max3A_340 : f32 to vector<16xf32>
      %max3A_342 = arith.maximumf %sub3A_339, %max3A_341 : vector<16xf32>
      %swap3A_343 = arith.index_cast %add3A_336 : i32 to index
      %swap3A_344 = tpu.vector_load %arg5[%swap3A_343] {strides = array<i32>} : memref<8192xf32, #tpu.memory_space<vmem>>, vector<16xf32>,
      tpu.vector_store %arg5[%swap3A_343], %max3A_342 {strides = array<i32>} : memref<8192xf32, #tpu.memory_space<vmem>>, vector<16xf32>,
      %add3A_345 = arith.constant 128 : i32
      %add3A_346 = arith.addi %mul3A_265, %add3A_345 : i32
      %get3A_347 = arith.index_cast %add3A_346 : i32 to index
      %get3A_348 = tpu.vector_load %arg5[%get3A_347] {strides = array<i32>} : memref<8192xf32, #tpu.memory_space<vmem>>, vector<16xf32>,
      %sub3A_349 = arith.subf %get3A_348, %while3A_236#3 : vector<16xf32>
      %max3A_350 = arith.constant 0.000000e+00 : f32
      %max3A_351 = vector.broadcast %max3A_350 : f32 to vector<16xf32>
      %max3A_352 = arith.maximumf %sub3A_349, %max3A_351 : vector<16xf32>
      %swap3A_353 = arith.index_cast %add3A_346 : i32 to index
      %swap3A_354 = tpu.vector_load %arg5[%swap3A_353] {strides = array<i32>} : memref<8192xf32, #tpu.memory_space<vmem>>, vector<16xf32>,
      tpu.vector_store %arg5[%swap3A_353], %max3A_352 {strides = array<i32>} : memref<8192xf32, #tpu.memory_space<vmem>>, vector<16xf32>,
      %add3A_355 = arith.constant 144 : i32
      %add3A_356 = arith.addi %mul3A_265, %add3A_355 : i32
      %get3A_357 = arith.index_cast %add3A_356 : i32 to index
      %get3A_358 = tpu.vector_load %arg5[%get3A_357] {strides = array<i32>} : memref<8192xf32, #tpu.memory_space<vmem>>, vector<16xf32>,
      %sub3A_359 = arith.subf %get3A_358, %while3A_236#3 : vector<16xf32>
      %max3A_360 = arith.constant 0.000000e+00 : f32
      %max3A_361 = vector.broadcast %max3A_360 : f32 to vector<16xf32>
      %max3A_362 = arith.maximumf %sub3A_359, %max3A_361 : vector<16xf32>
      %swap3A_363 = arith.index_cast %add3A_356 : i32 to index
      %swap3A_364 = tpu.vector_load %arg5[%swap3A_363] {strides = array<i32>} : memref<8192xf32, #tpu.memory_space<vmem>>, vector<16xf32>,
      tpu.vector_store %arg5[%swap3A_363], %max3A_362 {strides = array<i32>} : memref<8192xf32, #tpu.memory_space<vmem>>, vector<16xf32>,
      %add3A_365 = arith.constant 160 : i32
      %add3A_366 = arith.addi %mul3A_265, %add3A_365 : i32
      %get3A_367 = arith.index_cast %add3A_366 : i32 to index
      %get3A_368 = tpu.vector_load %arg5[%get3A_367] {strides = array<i32>} : memref<8192xf32, #tpu.memory_space<vmem>>, vector<16xf32>,
      %sub3A_369 = arith.subf %get3A_368, %while3A_236#3 : vector<16xf32>
      %max3A_370 = arith.constant 0.000000e+00 : f32
      %max3A_371 = vector.broadcast %max3A_370 : f32 to vector<16xf32>
      %max3A_372 = arith.maximumf %sub3A_369, %max3A_371 : vector<16xf32>
      %swap3A_373 = arith.index_cast %add3A_366 : i32 to index
      %swap3A_374 = tpu.vector_load %arg5[%swap3A_373] {strides = array<i32>} : memref<8192xf32, #tpu.memory_space<vmem>>, vector<16xf32>,
      tpu.vector_store %arg5[%swap3A_373], %max3A_372 {strides = array<i32>} : memref<8192xf32, #tpu.memory_space<vmem>>, vector<16xf32>,
      %add3A_375 = arith.constant 176 : i32
      %add3A_376 = arith.addi %mul3A_265, %add3A_375 : i32
      %get3A_377 = arith.index_cast %add3A_376 : i32 to index
      %get3A_378 = tpu.vector_load %arg5[%get3A_377] {strides = array<i32>} : memref<8192xf32, #tpu.memory_space<vmem>>, vector<16xf32>,
      %sub3A_379 = arith.subf %get3A_378, %while3A_236#3 : vector<16xf32>
      %max3A_380 = arith.constant 0.000000e+00 : f32
      %max3A_381 = vector.broadcast %max3A_380 : f32 to vector<16xf32>
      %max3A_382 = arith.maximumf %sub3A_379, %max3A_381 : vector<16xf32>
      %swap3A_383 = arith.index_cast %add3A_376 : i32 to index
      %swap3A_384 = tpu.vector_load %arg5[%swap3A_383] {strides = array<i32>} : memref<8192xf32, #tpu.memory_space<vmem>>, vector<16xf32>,
      tpu.vector_store %arg5[%swap3A_383], %max3A_382 {strides = array<i32>} : memref<8192xf32, #tpu.memory_space<vmem>>, vector<16xf32>,
      %add3A_385 = arith.constant 192 : i32
      %add3A_386 = arith.addi %mul3A_265, %add3A_385 : i32
      %get3A_387 = arith.index_cast %add3A_386 : i32 to index
      %get3A_388 = tpu.vector_load %arg5[%get3A_387] {strides = array<i32>} : memref<8192xf32, #tpu.memory_space<vmem>>, vector<16xf32>,
      %sub3A_389 = arith.subf %get3A_388, %while3A_236#3 : vector<16xf32>
      %max3A_390 = arith.constant 0.000000e+00 : f32
      %max3A_391 = vector.broadcast %max3A_390 : f32 to vector<16xf32>
      %max3A_392 = arith.maximumf %sub3A_389, %max3A_391 : vector<16xf32>
      %swap3A_393 = arith.index_cast %add3A_386 : i32 to index
      %swap3A_394 = tpu.vector_load %arg5[%swap3A_393] {strides = array<i32>} : memref<8192xf32, #tpu.memory_space<vmem>>, vector<16xf32>,
      tpu.vector_store %arg5[%swap3A_393], %max3A_392 {strides = array<i32>} : memref<8192xf32, #tpu.memory_space<vmem>>, vector<16xf32>,
      %add3A_395 = arith.constant 208 : i32
      %add3A_396 = arith.addi %mul3A_265, %add3A_395 : i32
      %get3A_397 = arith.index_cast %add3A_396 : i32 to index
      %get3A_398 = tpu.vector_load %arg5[%get3A_397] {strides = array<i32>} : memref<8192xf32, #tpu.memory_space<vmem>>, vector<16xf32>,
      %sub3A_399 = arith.subf %get3A_398, %while3A_236#3 : vector<16xf32>
      %max3A_400 = arith.constant 0.000000e+00 : f32
      %max3A_401 = vector.broadcast %max3A_400 : f32 to vector<16xf32>
      %max3A_402 = arith.maximumf %sub3A_399, %max3A_401 : vector<16xf32>
      %swap3A_403 = arith.index_cast %add3A_396 : i32 to index
      %swap3A_404 = tpu.vector_load %arg5[%swap3A_403] {strides = array<i32>} : memref<8192xf32, #tpu.memory_space<vmem>>, vector<16xf32>,
      tpu.vector_store %arg5[%swap3A_403], %max3A_402 {strides = array<i32>} : memref<8192xf32, #tpu.memory_space<vmem>>, vector<16xf32>,
      %add3A_405 = arith.constant 224 : i32
      %add3A_406 = arith.addi %mul3A_265, %add3A_405 : i32
      %get3A_407 = arith.index_cast %add3A_406 : i32 to index
      %get3A_408 = tpu.vector_load %arg5[%get3A_407] {strides = array<i32>} : memref<8192xf32, #tpu.memory_space<vmem>>, vector<16xf32>,
      %sub3A_409 = arith.subf %get3A_408, %while3A_236#3 : vector<16xf32>
      %max3A_410 = arith.constant 0.000000e+00 : f32
      %max3A_411 = vector.broadcast %max3A_410 : f32 to vector<16xf32>
      %max3A_412 = arith.maximumf %sub3A_409, %max3A_411 : vector<16xf32>
      %swap3A_413 = arith.index_cast %add3A_406 : i32 to index
      %swap3A_414 = tpu.vector_load %arg5[%swap3A_413] {strides = array<i32>} : memref<8192xf32, #tpu.memory_space<vmem>>, vector<16xf32>,
      tpu.vector_store %arg5[%swap3A_413], %max3A_412 {strides = array<i32>} : memref<8192xf32, #tpu.memory_space<vmem>>, vector<16xf32>,
      %add3A_415 = arith.constant 240 : i32
      %add3A_416 = arith.addi %mul3A_265, %add3A_415 : i32
      %get3A_417 = arith.index_cast %add3A_416 : i32 to index
      %get3A_418 = tpu.vector_load %arg5[%get3A_417] {strides = array<i32>} : memref<8192xf32, #tpu.memory_space<vmem>>, vector<16xf32>,
      %sub3A_419 = arith.subf %get3A_418, %while3A_236#3 : vector<16xf32>
      %max3A_420 = arith.constant 0.000000e+00 : f32
      %max3A_421 = vector.broadcast %max3A_420 : f32 to vector<16xf32>
      %max3A_422 = arith.maximumf %sub3A_419, %max3A_421 : vector<16xf32>
      %swap3A_423 = arith.index_cast %add3A_416 : i32 to index
      %swap3A_424 = tpu.vector_load %arg5[%swap3A_423] {strides = array<i32>} : memref<8192xf32, #tpu.memory_space<vmem>>, vector<16xf32>,
      tpu.vector_store %arg5[%swap3A_423], %max3A_422 {strides = array<i32>} : memref<8192xf32, #tpu.memory_space<vmem>>, vector<16xf32>,
    }
    %scan3A_242 = arith.constant 32 : i32
    %add3A_243 = arith.constant 1 : i32
    %add3A_244 = arith.addi %mul3A_2, %add3A_243 : i32
    %dma_start3A_245 = arith.constant 0 : i32
    %dma_start3A_246 = tpu.memref_slice %arg3[%add3A_244, %dma_start3A_245] : memref<64x8192xf32, #tpu.memory_space<hbm>> -> memref<1x8192xf32, #tpu.memory_space<hbm>>
    %dma_start3A_247 = tpu.memref_squeeze %dma_start3A_246 : memref<1x8192xf32, #tpu.memory_space<hbm>> -> memref<8192xf32, #tpu.memory_space<hbm>>
    %dma_start3A_248 = arith.constant 0 : i32
    %dma_start3A_249 = tpu.memref_slice %arg3[%add3A_244, %dma_start3A_248] : memref<64x8192xf32, #tpu.memory_space<hbm>> -> memref<1x8192xf32, #tpu.memory_space<hbm>>
    %dma_start3A_250 = tpu.memref_squeeze %dma_start3A_249 : memref<1x8192xf32, #tpu.memory_space<hbm>> -> memref<8192xf32, #tpu.memory_space<hbm>>
    tpu.enqueue_dma source(%arg5 : memref<8192xf32, #tpu.memory_space<vmem>>) target(%dma_start3A_250 : memref<8192xf32, #tpu.memory_space<hbm>>) target_semaphore(%arg10 : memref<!tpu.dma_semaphore, #tpu.memory_space<semaphore_mem>>)
    %dma_wait3A_251 = arith.constant 0 : i32
    %dma_wait3A_252 = tpu.memref_slice %arg3[%add3A_120, %dma_wait3A_251] : memref<64x8192xf32, #tpu.memory_space<hbm>> -> memref<1x8192xf32, #tpu.memory_space<hbm>>
    %dma_wait3A_253 = tpu.memref_squeeze %dma_wait3A_252 : memref<1x8192xf32, #tpu.memory_space<hbm>> -> memref<8192xf32, #tpu.memory_space<hbm>>
    %dma_wait3A_254 = arith.constant 0 : i32
    %dma_wait3A_255 = tpu.memref_slice %arg3[%add3A_120, %dma_wait3A_254] : memref<64x8192xf32, #tpu.memory_space<hbm>> -> memref<1x8192xf32, #tpu.memory_space<hbm>>
    %dma_wait3A_256 = tpu.memref_squeeze %dma_wait3A_255 : memref<1x8192xf32, #tpu.memory_space<hbm>> -> memref<8192xf32, #tpu.memory_space<hbm>>
    tpu.wait_dma2 semaphore(%arg9 : memref<!tpu.dma_semaphore, #tpu.memory_space<semaphore_mem>>) src(%arg4 : memref<8192xf32, #tpu.memory_space<vmem>>) dst(%dma_wait3A_256 : memref<8192xf32, #tpu.memory_space<hbm>>)
    %dma_wait3A_257 = arith.constant 0 : i32
    %dma_wait3A_258 = tpu.memref_slice %arg3[%add3A_244, %dma_wait3A_257] : memref<64x8192xf32, #tpu.memory_space<hbm>> -> memref<1x8192xf32, #tpu.memory_space<hbm>>
    %dma_wait3A_259 = tpu.memref_squeeze %dma_wait3A_258 : memref<1x8192xf32, #tpu.memory_space<hbm>> -> memref<8192xf32, #tpu.memory_space<hbm>>
    %dma_wait3A_260 = arith.constant 0 : i32
    %dma_wait3A_261 = tpu.memref_slice %arg3[%add3A_244, %dma_wait3A_260] : memref<64x8192xf32, #tpu.memory_space<hbm>> -> memref<1x8192xf32, #tpu.memory_space<hbm>>
    %dma_wait3A_262 = tpu.memref_squeeze %dma_wait3A_261 : memref<1x8192xf32, #tpu.memory_space<hbm>> -> memref<8192xf32, #tpu.memory_space<hbm>>
    tpu.wait_dma2 semaphore(%arg10 : memref<!tpu.dma_semaphore, #tpu.memory_space<semaphore_mem>>) src(%arg5 : memref<8192xf32, #tpu.memory_space<vmem>>) dst(%dma_wait3A_262 : memref<8192xf32, #tpu.memory_space<hbm>>)
    return
  }
}

</mosaic_0001>

<sc_bundles>
// kernel: kernel.3.cloned.1.call-start
scs
__scs_entry_jumppad:
0x0: {  	(pc) =	sbr.rel $0x88, $3  }
0x1: {  	(tag) =	ssettag $0x0;
	lr =	simm.s32 $0x1  }
0x2: {  	[smem:$0x3FA0] =	sst lr;
	_ =	strace $0xD0000000  }
0x3: {  	_ = 	snop  }
0x4: {  	_ = 	snop  }
0x5: {  	_ = 	snop  }
0x6: {  	_ = 	snop  }
0x7: {  	_ = 	snop  }
__scs_overlays_trampoline_lowered:
0x8: {  	[smem:$0x3FAF] =	sst s0  }
0x9: {  	[smem:$0x3FB0] =	sst s1  }
0xa: {  	[smem:$0x3FB1] =	sst s2  }
0xb: {  	[smem:$0x3FB2] =	sst s3  }
0xc: {  	[smem:$0x3FB3] =	sst s4  }
0xd: {  	[smem:$0x3FB4] =	sst s5  }
0xe: {  	[smem:$0x3FB5] =	sst s6  }
0xf: {  	[smem:$0x3FB6] =	sst s7  }
0x10: {  	[smem:$0x3FB7] =	sst s8  }
0x11: {  	[smem:$0x3FB8] =	sst s9;
	s0 =	simm.s32 @!p0 $0x0  }
0x12: {  	s1 =	sld [smem:$0x3F9E];
	s0 =	simm.s32 @p0 $0x1  }
0x13: {  	[smem:$0x3FB9] =	sst s0;
	s0 =	simm.s32 @!p1 $0x0  }
0x14: {  	s2 =	sld [smem:$0x3F9D];
	s0 =	simm.s32 @p1 $0x1  }
0x15: {  	[smem:$0x3FBA] =	sst s0;
	s0 =	simm.s32 @!p2 $0x0  }
0x16: {  	s3 =	sld [smem:$0x3FDB];
	s0 =	simm.s32 @p2 $0x1  }
0x17: {  	s4 =	simm.s32 $0x1BF5;
	[smem:$0x3FBC] =	sst s0  }
0x18: {  	s0 =	sld [smem:$0x3F9F];
	_ =	swait.ge [sflag:s4], $0x0  }
0x19: {  	s7 =	sld [smem:$0x3FA0]  }
0x1a: {  	s8 =	sadd.s32 $0xFFFFE003, lr  }
0x1b: {  	s9 =	sadd.s32 $0xFFFFFEF7, lr;
	s5 =	simm.s32 $0xFFFFFFFF;
	p2 =	slt.u32 s8, $0xFFFFF086  }
0x1c: {  	p1 =	slt.u32 s9, $0xF7A;
	s5 =	simm.s32 @!p2 $0x0  }
0x1d: {  	s5 =	simm.s32 @p1 $0x1;
	p0 =	seq.s32 s7, s2  }
0x1e: {  	s7 =	smul.u32 @!p0 $0xF7A, s2;
	p2 =	seq.s32 @!p0 s5, $0x0  }
0x1f: {  	s9 =	smul.u32 $0xF7A, s1;
	s8 =	simm.s32 @!p0 $0x1BF5;
	p2 =	por !p2, p0  }
0x20: {  	[sflag:s8] =	ssyncset.s32 @!p0 $0xFFFFF086;
	s6 =	sadd.s32 @!p0 s3, s7;
	s7 =	simm.s32 @!p0 $0x108  }
0x21: {  	s3 =	sadd.s32 s3, s9;
	s6 =	sadd.s32 @!p0 $0x88, s6;
	s7 =	simm.s32 @p2 $0x1082  }
0x22: {  	[simem:s7], [sflag:s8] =	dma.local @!p0 [hbm:s6], $0xF7A  }
0x23: {  	s9 =	sor.u32 $0xD0000000, s2;
	s6 =	simm.s32 $0x108;
	_ =	swait.ge @!p0 [sflag:s8], $0x0  }
0x24: {  	s3 =	sadd.s32 $0x88, s3;
	s6 =	simm.s32 @!p1 $0x1082;
	[sflag:s4] =	ssyncset.s32 $0xFFFFF086  }
0x25: {  	[simem:s6], [sflag:s4] =	dma.local [hbm:s3], $0xF7A  }
0x26: {  	[smem:$0x3FA0] =	sst s1;
	(tag) =	ssettag s2;
	_ =	strace s9  }
0x27: {  	s1 =	sld [smem:$0x3FB0]  }
0x28: {  	s2 =	sld [smem:$0x3FB1]  }
0x29: {  	s4 =	sld [smem:$0x3FB3]  }
0x2a: {  	p0 =	seq.s32 s5, $0x0;
	s5 =	sld [smem:$0x3FB4]  }
0x2b: {  	s6 =	sld [smem:$0x3FB5]  }
0x2c: {  	s7 =	sld [smem:$0x3FB6]  }
0x2d: {  	s3 =	simm.s32 $0x108;
	s8 =	sld [smem:$0x3FB7]  }
0x2e: {  	s3 =	simm.s32 @!p0 $0x1082;
	s9 =	sld [smem:$0x3FB8]  }
0x2f: {  	lr =	sadd.s32 s0, s3;
	s0 =	sld [smem:$0x3FAF]  }
0x30: {  	s3 =	sld [smem:$0x3FB2]  }
0x31: {  	[smem:$0x3FBB] =	sst s10  }
0x32: {  	s10 =	sld [smem:$0x3FB9];
	_ =	sdelay $0x3  }
0x33: {  	p0 =	seq.s32 s10, $0x1;
	s10 =	sld [smem:$0x3FBB];
	_ =	sdelay $0x3  }
0x34: {  	[smem:$0x3FBB] =	sst s10  }
0x35: {  	s10 =	sld [smem:$0x3FBA];
	_ =	sdelay $0x3  }
0x36: {  	p1 =	seq.s32 s10, $0x1;
	s10 =	sld [smem:$0x3FBB];
	_ =	sdelay $0x3  }
0x37: {  	[smem:$0x3FBB] =	sst s10  }
0x38: {  	s10 =	sld [smem:$0x3FBC]  }
0x39: {  	_ = 	snop;
	(pc) =	sbr.ind lr, $3  }
0x3a: {  	_ = 	snop  }
0x3b: {  	_ = 	snop  }
0x3c: {  	p2 =	seq.s32 s10, $0x1;
	s10 =	sld [smem:$0x3FBB]  }
0x3d: {  	_ =	shalt  }
0x3e: {  	_ =	shalt  }
0x3f: {  	_ =	shalt  }
0x40: {  	_ =	shalt  }
0x41: {  	_ =	shalt  }
0x42: {  	_ =	shalt  }
0x43: {  	_ =	shalt  }
0x44: {  	_ =	shalt  }
0x45: {  	_ =	shalt  }
0x46: {  	_ =	shalt  }
0x47: {  	_ =	shalt  }
0x48: {  	_ =	shalt  }
0x49: {  	_ =	shalt  }
0x4a: {  	_ =	shalt  }
0x4b: {  	_ =	shalt  }
0x4c: {  	_ =	shalt  }
0x4d: {  	_ =	shalt  }
0x4e: {  	_ =	shalt  }
0x4f: {  	_ =	shalt  }
0x50: {  	_ =	shalt  }
0x51: {  	_ =	shalt  }
0x52: {  	_ =	shalt  }
0x53: {  	_ =	shalt  }
0x54: {  	_ =	shalt  }
0x55: {  	_ =	shalt  }
0x56: {  	_ =	shalt  }
0x57: {  	_ =	shalt  }
0x58: {  	_ =	shalt  }
0x59: {  	_ =	shalt  }
0x5a: {  	_ =	shalt  }
0x5b: {  	_ =	shalt  }
0x5c: {  	_ =	shalt  }
0x5d: {  	_ =	shalt  }
0x5e: {  	_ =	shalt  }
0x5f: {  	_ =	shalt  }
0x60: {  	_ =	shalt  }
0x61: {  	_ =	shalt  }
0x62: {  	_ =	shalt  }
0x63: {  	_ =	shalt  }
0x64: {  	_ =	shalt  }
0x65: {  	_ =	shalt  }
0x66: {  	_ =	shalt  }
0x67: {  	_ =	shalt  }
0x68: {  	_ =	shalt  }
0x69: {  	_ =	shalt  }
0x6a: {  	_ =	shalt  }
0x6b: {  	_ =	shalt  }
0x6c: {  	_ =	shalt  }
0x6d: {  	_ =	shalt  }
0x6e: {  	_ =	shalt  }
0x6f: {  	_ =	shalt  }
0x70: {  	_ =	shalt  }
0x71: {  	_ =	shalt  }
0x72: {  	_ =	shalt  }
0x73: {  	_ =	shalt  }
0x74: {  	_ =	shalt  }
0x75: {  	_ =	shalt  }
0x76: {  	_ =	shalt  }
0x77: {  	_ =	shalt  }
0x78: {  	_ =	shalt  }
0x79: {  	_ =	shalt  }
0x7a: {  	_ =	shalt  }
0x7b: {  	_ =	shalt  }
0x7c: {  	_ =	shalt  }
0x7d: {  	_ =	shalt  }
0x7e: {  	_ =	shalt  }
0x7f: {  	_ =	shalt  }
0x80: {  	_ =	shalt  }
0x81: {  	_ =	shalt  }
0x82: {  	_ =	shalt  }
0x83: {  	_ =	shalt  }
0x84: {  	_ =	shalt  }
0x85: {  	_ =	shalt  }
0x86: {  	_ =	shalt  }
0x87: {  	_ =	shalt  }
.Lfunc_end0:
.L_simem_size_0:
called_computation_lowered:
.L_overlay_start_0:
0x88: {  	s2 =	sld [smem:$0x3FD9]  }
0x89: {  	s3 =	sld [smem:$0x3FFE];
	_ =	sdelay $0x1  }
0x8a: {  	s1 =	srdreg.scid  }
0x8b: {  	s0 =	sand.u32 $0x1, s1  }
0x8c: {  	s18 =	sshll.u32 s0, $0xA;
	s2 =	sadd.s32 s3, s2  }
0x8d: {  	s2 =	sadd.s32 s2, s18  }
0x8e: {  	[smem:$0x3FC7] =	sst s2  }
0x8f: {  	_ = 	snop  }
0x90: {  	s2 =	sld [smem:$0x3FC9]  }
0x91: {  	s19 =	sld [smem:$0x3FD0];
	(tm) =	ssettm $0x1  }
0x92: {  	s4 =	sld [smem:$0x3FFB];
	_ =	sdelay $0x3  }
0x93: {  	_ =	strace s4  }
0x94: {  	s4 =	sld [smem:$0x3FFC];
	_ =	sdelay $0x3  }
0x95: {  	_ =	strace s4  }
0x96: {  	s4 =	sld [smem:$0x3FFD];
	_ =	sdelay $0x3  }
0x97: {  	_ =	strace s4  }
0x98: {  	_ =	strace $0x8FFFFFFF  }
0x99: {  	s20 =	sld [smem:$0x3FDB];
	_ =	sdelay $0x1  }
0x9a: {  	s5 =	simm.s32 $_scs_section_size  }
0x9b: {  	s6 =	simm.s32 $_size__tile_overlayer_lowered;
	s7 =	simm.s32 $_tile_overlayer_lowered  }
0x9c: {  	s23 =	simm.s32 $0x1BFF;
	s22 =	sshll.u32 s7, $0x1;
	s4 =	sadd.s32 s5, s20  }
0x9d: {  	s8 =	simm.s32 $0x0;
	s21 =	sshll.u32 s6, $0x1;
	s6 =	sadd.s32 s22, s4  }
0x9e: {  	[timem:s8], [sflag:s23] =	dma.local [hbm:s6], s21  }
0x9f: {  	_ =	swait.ge [sflag:s23], s21  }
0xa0: {  	s5 =	ssub.s32 $0x0, s21;
	[sflag:s23] =	ssyncset.done $0x0  }
0xa1: {  	[sflag:s23] =	ssyncadd.s32 s5;
	_ =	sdelay $0x1  }
0xa2: {  	s24 =	simm.s32 $0x1B8B  }
0xa3: {  	_ =	swait.ge [sflag:s24], $0x1  }
0xa4: {  	[sflag:s24] =	ssyncset.done $0x0  }
0xa5: {  	s25 =	simm.s32 $0x1B8E;
	[sflag:s24] =	ssyncadd.s32 $0xFFFFFFFF  }
0xa6: {  	s26 =	simm.s32 $execute0_lowered;
	[smem:$0x3FD2] =	sst s25  }
0xa7: {  	s5 =	sshll.u32 s26, $0x1;
	_ =	strace $0x80000046;
	[dreg:$0x1] =	wrdreg $0xFFFFFFFF  }
0xa8: {  	s28 =	simm.s32 $_size_execute0_lowered;
	s4 =	sadd.s32 s4, s5;
	[dreg:$0x0] =	wrdreg $0x0  }
0xa9: {  	s5 =	sshll.u32 s28, $0x1;
	[dreg:$0x2] =	wrdreg s4  }
0xaa: {  	[dreg:$0x3] =	wrdreg s5  }
0xab: {  	[dreg:$0x4] =	wrdreg $0xC0  }
0xac: {  	_ =	task [dreg:s8], $0x5FFFF  }
0xad: {  	[dreg:$0x1] =	wrdreg $0xFFFFFFFF  }
0xae: {  	[dreg:$0x0] =	wrdreg $0x60  }
0xaf: {  	[dreg:$0x2] =	wrdreg s2  }
0xb0: {  	[dreg:$0x3] =	wrdreg s19  }
0xb1: {  	[dreg:$0x4] =	wrdreg $0x9  }
0xb2: {  	_ =	task.clear_ibuf [dreg:s8], $0x5FFFF;
	_ =	strace $0x90000046  }
0xb3: {  	s29 =	simm.s32 $0x9;
	_ =	strace $0x80000048  }
0xb4: {  	_ =	swait.ge [sflag:s29], $0x1  }
0xb5: {  	[sflag:s29] =	ssyncadd.s32 $0xFFFFFFFF  }
0xb6: {  	_ =	strace $0x90000048  }
0xb7: {  	_ =	sfence  }
0xb8: {  	s30 =	sld [smem:$0x0];
	_ =	sdelay $0x2  }
0xb9: {  	s31 =	sshll.u32 s1, $0xD;
	s1 =	sshrl.u32 s1, $0x2  }
0xba: {  	s3 =	sand.u32 $0x4000, s31;
	s1 =	sadd.s32 s1, s30  }
0xbb: {  	s0 =	sor.u32 s3, s0;
	s1 =	sshll.u32 s1, $0x11  }
0xbc: {  	s0 =	sor.u32 s1, s0  }
0xbd: {  	s0 =	sadd.s32 $0x8F2B, s0  }
0xbe: {  	[sflag:s0] =	ssyncadd.remote.s32 $0x1  }
0xbf: {  	_ =	sfence.sel $0xFFFF  }
0xc0: {  	[dreg:$0x0] =	wrdreg $0xFFFFFFFF;
	(pc) =	sbr.abs _section_cstart, $3  }
0xc1: {  	[dreg:$0x1] =	wrdreg $0xFFFFFFFF  }
0xc2: {  	_ =	task.clear_ibuf [dreg:s8], $0x2FFFF;
	_ =	strace $0x9FFFFFFF  }
0xc3: {  	(tm) =	ssettm $0x7FFFFFFF  }
tec
execute0_lowered:
.L_overlay_start_1:
0x0: {  	(tag) =	ssettag $0x1  }
0x1: {  	s4 =	rddreg [dreg:$0x0]  }
0x2: {  	s6 =	rddreg [dreg:$0x1]  }
0x3: {  	s0 =	rddreg [dreg:$0x2]  }
0x4: {  	s2 =	simm.s32 $0x0;
	s3 =	srdreg.scid;
	s1 =	stileid.u32  }
0x5: {  	s9 =	simm.s32 $0x400;
	s10 =	simm.s32 $0x2000;
	s11 =	simm.s32 $0x1  }
0x6: {  	s12 =	simm.s32 $0x2;
	s13 =	simm.s32 $0x3;
	s14 =	simm.s32 $0x4  }
0x7: {  	s15 =	simm.s32 $0x0;
	s3 =	sand.u32 $0x1, s3;
	s5 =	sshll.u32 s1, $0x6  }
0x8: {  	s8 =	sshll.u32 s1, $0xC;
	s7 =	sshll.u32 s3, $0x5;
	s5 =	sand.u32 $0x40, s5  }
0x9: {  	s3 =	ssub.s32 $0x2, s3;
	s8 =	sand.u32 $0xE000, s8;
	s5 =	sor.u32 s7, s5  }
0xa: {  	[smem:$0x7FF] =	sst s2;
	s31 =	sshrl.u32 s3, $0x1;
	s5 =	sor.u32 s8, s5  }
0xb: {  	_ =	strace $0x80000047;
	s7 =	ssub.s32 s3, s31;
	s3 =	sadd.s32 s4, s5  }
0xc: {  	s8 =	sor.u32 $0x10, s5;
	s5 =	sadd.s32 s6, s5;
	s7 =	smax.u32 s7, $0x1  }
0xd: {  	v0 =	vimm.f32 $-1.000000020e+30;
	v1 =	vimm.f32 $1.000000000e+00;
	s4 =	sadd.s32 s4, s8;
	s6 =	sadd.s32 s6, s8;
	s8 =	simm.s32 $0x80  }
.LBB2_1:
0xe: {  	[tilespmem:s2], [sflag:$0x1] =	stream.strided.gather [hbm4b:s3+s8], $0x2000, s9, s8, $0x38;
	[tilespmem:$0x6080] =	vst v63  }
0xf: {  	_ = 	snop  }
0x10: {  	[tilespmem:s10], [sflag:$0x2] =	stream.strided.gather [hbm4b:s4+s8], $0x2000, s9, s8, $0x38;
	[tilespmem:$0x6080] =	vst v63  }
0x11: {  	_ =	swait.ge [sflag:s11], $0x2000  }
0x12: {  	[sflag:s11] =	ssyncset.done $0x0  }
0x13: {  	s18 =	simm.s32 $0x0;
	[sflag:s11] =	ssyncadd.s32 $0xFFFFE000  }
0x14: {  	v2 =	vld [tilespmem:s18+$0xF0]  }
0x15: {  	v3 =	vld [tilespmem:s18+$0x0]  }
0x16: {  	v4 =	vld [tilespmem:s18+$0x10]  }
0x17: {  	v5 =	vld [tilespmem:s18+$0x20]  }
0x18: {  	v6 =	vld [tilespmem:s18+$0x30]  }
0x19: {  	v7 =	vld [tilespmem:s18+$0x40]  }
0x1a: {  	v8 =	vld [tilespmem:s18+$0x50]  }
0x1b: {  	v9 =	vld [tilespmem:s18+$0x60]  }
0x1c: {  	v10 =	vld [tilespmem:s18+$0x70]  }
0x1d: {  	v18 =	vld [tilespmem:s18+$0x80]  }
0x1e: {  	v22 =	vld [tilespmem:s18+$0x90]  }
0x1f: {  	v2 =	vmax.f32 v0, v2  }
0x20: {  	v21 =	vld [tilespmem:s18+$0xA0];
	v16 =	vmax.f32 v0, v3;
	v17 =	vmax.f32 v0, v4;
	v15 =	vmax.f32 v0, v5  }
0x21: {  	v19 =	vld [tilespmem:s18+$0xB0];
	v14 =	vmax.f32 v0, v6;
	v13 =	vmax.f32 v0, v7;
	v12 =	vmax.f32 v0, v8  }
0x22: {  	v20 =	vld [tilespmem:s18+$0xC0];
	v11 =	vmax.f32 v0, v9;
	v10 =	vmax.f32 v0, v10;
	v9 =	vmax.f32 v0, v18  }
0x23: {  	v18 =	vld [tilespmem:s18+$0xD0];
	v7 =	vmax.f32 v0, v22;
	v8 =	vimm.f32 $-1.000000020e+30;
	v5 =	vimm.f32 $-1.000000020e+30  }
0x24: {  	s16 =	simm.s32 $0x100;
	s17 =	simm.s32 $0x800;
	v22 =	vld [tilespmem:s18+$0xE0];
	v6 =	vimm.f32 $-1.000000020e+30;
	v4 =	vimm.f32 $-1.000000020e+30;
	v3 =	vimm.f32 $-1.000000020e+30  }
.LBB2_2:
0x25: {  	p0 =	sne.s32 s17, $0x7C00;
	v23 =	vld [tilespmem:s16+$0xF0];
	v8 =	vmax.f32 v8, v21  }
0x26: {  	v21 =	vld [tilespmem:s16+$0x0];
	v5 =	vmax.f32 v5, v19  }
0x27: {  	v19 =	vld [tilespmem:s16+$0x10];
	v6 =	vmax.f32 v6, v20  }
0x28: {  	v20 =	vld [tilespmem:s16+$0x20];
	v4 =	vmax.f32 v4, v18  }
0x29: {  	v18 =	vld [tilespmem:s16+$0x30];
	v3 =	vmax.f32 v3, v22  }
0x2a: {  	v22 =	vld [tilespmem:s16+$0x40];
	v2 =	vmax.f32 v2, v23  }
0x2b: {  	v16 =	vmax.f32 v16, v21;
	v21 =	vld [tilespmem:s16+$0x50]  }
0x2c: {  	v17 =	vmax.f32 v17, v19;
	v19 =	vld [tilespmem:s16+$0x60]  }
0x2d: {  	v15 =	vmax.f32 v15, v20;
	v20 =	vld [tilespmem:s16+$0x70]  }
0x2e: {  	v14 =	vmax.f32 v14, v18;
	v18 =	vld [tilespmem:s16+$0x80]  }
0x2f: {  	v13 =	vmax.f32 v13, v22;
	v22 =	vld [tilespmem:s16+$0x90]  }
.Ltmp0:
0x30: {  	v12 =	vmax.f32 v12, v21;
	v21 =	vld [tilespmem:s16+$0xA0];
	(pc) =	sbr.rel @p0 .LBB2_2-.Ltmp0, $4  }
0x31: {  	v11 =	vmax.f32 v11, v19;
	v19 =	vld [tilespmem:s16+$0xB0]  }
0x32: {  	v10 =	vmax.f32 v10, v20;
	v20 =	vld [tilespmem:s16+$0xC0]  }
0x33: {  	v9 =	vmax.f32 v9, v18;
	v18 =	vld [tilespmem:s16+$0xD0]  }
0x34: {  	v7 =	vmax.f32 v7, v22;
	v22 =	vld [tilespmem:s16+$0xE0];
	s16 =	sshra.s32 s17, $0x2;
	s17 =	sadd.s32 $0x400, s17  }
0x35: {  	v23 =	vld [tilespmem:s16+$0x0]  }
0x36: {  	v24 =	vld [tilespmem:s16+$0x10]  }
0x37: {  	v25 =	vld [tilespmem:s16+$0x20]  }
0x38: {  	v26 =	vld [tilespmem:s16+$0x30]  }
0x39: {  	v27 =	vld [tilespmem:s16+$0x40]  }
0x3a: {  	v28 =	vld [tilespmem:s16+$0x50]  }
0x3b: {  	v16 =	vmax.f32 v16, v23;
	v17 =	vmax.f32 v17, v24;
	v24 =	vld [tilespmem:s16+$0x60]  }
0x3c: {  	v29 =	vld [tilespmem:s16+$0x70];
	v15 =	vmax.f32 v15, v25;
	v16 =	vmax.f32 v16, v17  }
0x3d: {  	v30 =	vld [tilespmem:s16+$0x80];
	v14 =	vmax.f32 v14, v26;
	v15 =	vmax.f32 v16, v15  }
0x3e: {  	v31 =	vld [tilespmem:s16+$0x90];
	v13 =	vmax.f32 v13, v27;
	v14 =	vmax.f32 v15, v14  }
0x3f: {  	v32 =	vld [tilespmem:s16+$0xA0];
	v12 =	vmax.f32 v12, v28;
	v13 =	vmax.f32 v14, v13  }
0x40: {  	v33 =	vld [tilespmem:s16+$0xB0];
	v11 =	vmax.f32 v11, v24;
	v12 =	vmax.f32 v13, v12  }
0x41: {  	v34 =	vld [tilespmem:s16+$0xC0];
	v10 =	vmax.f32 v10, v29;
	v11 =	vmax.f32 v12, v11  }
0x42: {  	v35 =	vld [tilespmem:s16+$0xD0];
	v9 =	vmax.f32 v9, v30;
	v10 =	vmax.f32 v11, v10  }
0x43: {  	v8 =	vmax.f32 v8, v21;
	v36 =	vld [tilespmem:s16+$0xE0];
	v7 =	vmax.f32 v7, v31;
	v9 =	vmax.f32 v10, v9  }
0x44: {  	v37 =	vld [tilespmem:s16+$0xF0];
	v5 =	vmax.f32 v5, v19;
	v8 =	vmax.f32 v8, v32;
	v7 =	vmax.f32 v9, v7  }
0x45: {  	v6 =	vmax.f32 v6, v20;
	v5 =	vmax.f32 v5, v33;
	v7 =	vmax.f32 v7, v8  }
0x46: {  	v4 =	vmax.f32 v4, v18;
	v6 =	vmax.f32 v6, v34;
	v5 =	vmax.f32 v7, v5  }
0x47: {  	v3 =	vmax.f32 v3, v22;
	v4 =	vmax.f32 v4, v35;
	v5 =	vmax.f32 v5, v6  }
0x48: {  	v3 =	vmax.f32 v3, v36;
	v4 =	vmax.f32 v5, v4  }
0x49: {  	v2 =	vmax.f32 v2, v37;
	v3 =	vmax.f32 v4, v3  }
0x4a: {  	v2 =	vmax.f32 v3, v2  }
0x4b: {  	(xrf0) =	vmax.scan.msk.f32 $0xffff, v2;
	_ =	sdelay $0x5  }
0x4c: {  	v2, _, _ =	vpop (xrf0)  }
0x4d: {  	(v2sf) =	vpush v2, $0xF;
	_ =	sdelay $0xc  }
0x4e: {  	s29 =	simm.s32 $0x0  }
0x4f: {  	v4 =	vld [tilespmem:s29+$0x0]  }
0x50: {  	v5 =	vld [tilespmem:s29+$0x10];
	s17 =	spop (v2sf)  }
0x51: {  	v38 =	vld [tilespmem:s29+$0x20];
	s17 =	sadd.f32 $-1.000000000e+00, s17  }
0x52: {  	v39 =	vld [tilespmem:s29+$0x30]  }
0x53: {  	v40 =	vld [tilespmem:s29+$0x40];
	v2 =	vmov s17  }
0x54: {  	v41 =	vld [tilespmem:s29+$0x50];
	vm4 =	vgt.f32 v4, v2  }
0x55: {  	v42 =	vld [tilespmem:s29+$0x60];
	vm1 =	vgt.f32 v5, v2;
	v3 =	vmpcnt.ones.xlane vm4  }
0x56: {  	v43 =	vld [tilespmem:s29+$0x70];
	vm2 =	vgt.f32 v38, v2;
	v44 =	vmpcnt.ones.xlane vm1  }
0x57: {  	v45 =	vld [tilespmem:s29+$0x80];
	vm3 =	vgt.f32 v39, v2;
	v46 =	vmpcnt.ones.xlane vm2;
	(v2sf) =	vpush v3, $0x0  }
0x58: {  	v47 =	vld [tilespmem:s29+$0x90];
	vm5 =	vgt.f32 v40, v2;
	v3 =	vmpcnt.ones.xlane vm3;
	(v2sf) =	vpush v44, $0x0  }
0x59: {  	v48 =	vld [tilespmem:s29+$0xA0];
	vm6 =	vgt.f32 v41, v2;
	v49 =	vmpcnt.ones.xlane vm5;
	(v2sf) =	vpush v46, $0x0  }
0x5a: {  	v50 =	vld [tilespmem:s29+$0xB0];
	vm7 =	vgt.f32 v42, v2;
	v51 =	vmpcnt.ones.xlane vm6;
	(v2sf) =	vpush v3, $0x0  }
0x5b: {  	v52 =	vld [tilespmem:s29+$0xC0];
	vm8 =	vgt.f32 v43, v2;
	v3 =	vmpcnt.ones.xlane vm7;
	(v2sf) =	vpush v49, $0x0  }
0x5c: {  	v53 =	vld [tilespmem:s29+$0xD0];
	vm9 =	vgt.f32 v45, v2;
	v54 =	vmpcnt.ones.xlane vm8;
	(v2sf) =	vpush v51, $0x0  }
0x5d: {  	v55 =	vld [tilespmem:s29+$0xE0];
	vm11 =	vgt.f32 v47, v2;
	v56 =	vmpcnt.ones.xlane vm9;
	(v2sf) =	vpush v3, $0x0  }
0x5e: {  	vm13 =	vgt.f32 v48, v2;
	v57 =	vmpcnt.ones.xlane vm11;
	v3 =	vld [tilespmem:s29+$0xF0];
	(v2sf) =	vpush v54, $0x0  }
0x5f: {  	vm14 =	vgt.f32 v50, v2;
	v58 =	vmpcnt.ones.xlane vm13;
	(v2sf) =	vpush v56, $0x0  }
0x60: {  	vm15 =	vgt.f32 v52, v2;
	v59 =	vmpcnt.ones.xlane vm14;
	(v2sf) =	vpush v57, $0x0  }
0x61: {  	vm12 =	vgt.f32 v53, v2;
	v60 =	vmpcnt.ones.xlane vm15;
	(v2sf) =	vpush v58, $0x0  }
0x62: {  	vm10 =	vgt.f32 v55, v2;
	v61 =	vmpcnt.ones.xlane vm12;
	(v2sf) =	vpush v59, $0x0  }
0x63: {  	v62 =	vmpcnt.ones.xlane vm10;
	vm0 =	vgt.f32 v3, v2;
	(v2sf) =	vpush v60, $0x0  }
0x64: {  	v63 =	vmpcnt.ones.xlane vm0;
	(v2sf) =	vpush v61, $0x0  }
0x65: {  	(v2sf) =	vpush v62, $0x0  }
0x66: {  	s30 =	simm.s32 $0x0;
	s31 =	spop (v2sf);
	(v2sf) =	vpush v63, $0x0  }
0x67: {  	[tilespmem:s30+$0x4000] =	vst.msk vm4, v4;
	s17 =	sadd.s32 $0x0, s31;
	s18 =	spop (v2sf)  }
0x68: {  	[tilespmem:s17+$0x4000] =	vst.msk vm1, v5;
	s16 =	sadd.s32 s18, s17;
	s19 =	spop (v2sf)  }
0x69: {  	[tilespmem:s16+$0x4000] =	vst.msk vm2, v38;
	s16 =	sadd.s32 s19, s16;
	s20 =	spop (v2sf)  }
0x6a: {  	[tilespmem:s16+$0x4000] =	vst.msk vm3, v39;
	s16 =	sadd.s32 s20, s16;
	s21 =	spop (v2sf)  }
0x6b: {  	[tilespmem:s16+$0x4000] =	vst.msk vm5, v40;
	s16 =	sadd.s32 s21, s16;
	s22 =	spop (v2sf)  }
0x6c: {  	[tilespmem:s16+$0x4000] =	vst.msk vm6, v41;
	s16 =	sadd.s32 s22, s16;
	s23 =	spop (v2sf)  }
0x6d: {  	[tilespmem:s16+$0x4000] =	vst.msk vm7, v42;
	s16 =	sadd.s32 s23, s16;
	s24 =	spop (v2sf)  }
0x6e: {  	[tilespmem:s16+$0x4000] =	vst.msk vm8, v43;
	s16 =	sadd.s32 s24, s16;
	s25 =	spop (v2sf)  }
0x6f: {  	[tilespmem:s16+$0x4000] =	vst.msk vm9, v45;
	s16 =	sadd.s32 s25, s16;
	s26 =	spop (v2sf)  }
0x70: {  	[tilespmem:s16+$0x4000] =	vst.msk vm11, v47;
	s16 =	sadd.s32 s26, s16;
	s28 =	spop (v2sf)  }
0x71: {  	[tilespmem:s16+$0x4000] =	vst.msk vm13, v48;
	s16 =	sadd.s32 s28, s16;
	s29 =	spop (v2sf)  }
0x72: {  	[tilespmem:s16+$0x4000] =	vst.msk vm14, v50;
	s16 =	sadd.s32 s29, s16;
	s30 =	spop (v2sf)  }
0x73: {  	[tilespmem:s16+$0x4000] =	vst.msk vm15, v52;
	s17 =	sadd.s32 s30, s16;
	s18 =	spop (v2sf)  }
0x74: {  	s21 =	simm.s32 $0x800;
	[tilespmem:s17+$0x4000] =	vst.msk vm12, v53;
	s17 =	sadd.s32 s18, s17;
	s31 =	spop (v2sf)  }
0x75: {  	s16 =	simm.s32 $0x400;
	[tilespmem:s17+$0x4000] =	vst.msk vm10, v55;
	s18 =	sadd.s32 s31, s17;
	s19 =	spop (v2sf)  }
.LBB2_4:
0x76: {  	s20 =	sshra.s32 s16, $0x2  }
0x77: {  	[tilespmem:s18+$0x4000] =	vst.msk vm0, v3;
	s18 =	sadd.s32 s19, s18;
	s16 =	smov.u32 s21;
	s17 =	sadd.s32 $0x400, s21  }
0x78: {  	p0 =	sne.s32 s21, $0x7C00;
	v4 =	vld [tilespmem:s20+$0x0]  }
0x79: {  	v5 =	vld [tilespmem:s20+$0x10]  }
0x7a: {  	v6 =	vld [tilespmem:s20+$0x20]  }
0x7b: {  	v7 =	vld [tilespmem:s20+$0x30]  }
0x7c: {  	v8 =	vld [tilespmem:s20+$0x40]  }
0x7d: {  	v9 =	vld [tilespmem:s20+$0x50];
	vm4 =	vgt.f32 v4, v2  }
0x7e: {  	v10 =	vld [tilespmem:s20+$0x60];
	vm1 =	vgt.f32 v5, v2;
	v3 =	vmpcnt.ones.xlane vm4  }
0x7f: {  	v11 =	vld [tilespmem:s20+$0x70];
	vm2 =	vgt.f32 v6, v2;
	v12 =	vmpcnt.ones.xlane vm1  }
0x80: {  	v13 =	vld [tilespmem:s20+$0x80];
	vm3 =	vgt.f32 v7, v2;
	v14 =	vmpcnt.ones.xlane vm2;
	(v2sf) =	vpush v3, $0x0  }
0x81: {  	v15 =	vld [tilespmem:s20+$0x90];
	vm5 =	vgt.f32 v8, v2;
	v3 =	vmpcnt.ones.xlane vm3;
	(v2sf) =	vpush v12, $0x0  }
0x82: {  	v12 =	vld [tilespmem:s20+$0xA0];
	vm6 =	vgt.f32 v9, v2;
	v16 =	vmpcnt.ones.xlane vm5;
	(v2sf) =	vpush v14, $0x0  }
0x83: {  	v14 =	vld [tilespmem:s20+$0xB0];
	vm7 =	vgt.f32 v10, v2;
	v17 =	vmpcnt.ones.xlane vm6;
	(v2sf) =	vpush v3, $0x0  }
0x84: {  	v18 =	vld [tilespmem:s20+$0xC0];
	vm8 =	vgt.f32 v11, v2;
	v3 =	vmpcnt.ones.xlane vm7;
	(v2sf) =	vpush v16, $0x0  }
0x85: {  	v16 =	vld [tilespmem:s20+$0xD0];
	vm9 =	vgt.f32 v13, v2;
	v19 =	vmpcnt.ones.xlane vm8;
	(v2sf) =	vpush v17, $0x0  }
0x86: {  	v17 =	vld [tilespmem:s20+$0xE0];
	vm10 =	vgt.f32 v15, v2;
	v20 =	vmpcnt.ones.xlane vm9;
	(v2sf) =	vpush v3, $0x0  }
0x87: {  	v3 =	vld [tilespmem:s20+$0xF0];
	vm11 =	vgt.f32 v12, v2;
	v21 =	vmpcnt.ones.xlane vm10;
	(v2sf) =	vpush v19, $0x0  }
0x88: {  	vm12 =	vgt.f32 v14, v2;
	v19 =	vmpcnt.ones.xlane vm11;
	(v2sf) =	vpush v20, $0x0  }
0x89: {  	vm13 =	vgt.f32 v18, v2;
	v20 =	vmpcnt.ones.xlane vm12;
	(v2sf) =	vpush v21, $0x0  }
0x8a: {  	vm14 =	vgt.f32 v16, v2;
	v21 =	vmpcnt.ones.xlane vm13;
	(v2sf) =	vpush v19, $0x0  }
0x8b: {  	vm15 =	vgt.f32 v17, v2;
	v19 =	vmpcnt.ones.xlane vm14;
	(v2sf) =	vpush v20, $0x0  }
0x8c: {  	vm0 =	vgt.f32 v3, v2;
	v20 =	vmpcnt.ones.xlane vm15;
	(v2sf) =	vpush v21, $0x0  }
0x8d: {  	v21 =	vmpcnt.ones.xlane vm0;
	(v2sf) =	vpush v19, $0x0  }
0x8e: {  	(v2sf) =	vpush v20, $0x0  }
0x8f: {  	s19 =	spop (v2sf);
	(v2sf) =	vpush v21, $0x0  }
0x90: {  	[tilespmem:s18+$0x4000] =	vst.msk vm4, v4;
	s18 =	sadd.s32 s18, s19;
	s19 =	spop (v2sf)  }
0x91: {  	[tilespmem:s18+$0x4000] =	vst.msk vm1, v5;
	s18 =	sadd.s32 s19, s18;
	s19 =	spop (v2sf)  }
0x92: {  	[tilespmem:s18+$0x4000] =	vst.msk vm2, v6;
	s18 =	sadd.s32 s19, s18;
	s19 =	spop (v2sf)  }
0x93: {  	[tilespmem:s18+$0x4000] =	vst.msk vm3, v7;
	s18 =	sadd.s32 s19, s18;
	s19 =	spop (v2sf)  }
0x94: {  	[tilespmem:s18+$0x4000] =	vst.msk vm5, v8;
	s18 =	sadd.s32 s19, s18;
	s19 =	spop (v2sf)  }
0x95: {  	[tilespmem:s18+$0x4000] =	vst.msk vm6, v9;
	s18 =	sadd.s32 s19, s18;
	s19 =	spop (v2sf)  }
0x96: {  	[tilespmem:s18+$0x4000] =	vst.msk vm7, v10;
	s18 =	sadd.s32 s19, s18;
	s19 =	spop (v2sf)  }
0x97: {  	[tilespmem:s18+$0x4000] =	vst.msk vm8, v11;
	s18 =	sadd.s32 s19, s18;
	s19 =	spop (v2sf)  }
0x98: {  	[tilespmem:s18+$0x4000] =	vst.msk vm9, v13;
	s18 =	sadd.s32 s19, s18;
	s19 =	spop (v2sf)  }
0x99: {  	[tilespmem:s18+$0x4000] =	vst.msk vm10, v15;
	s18 =	sadd.s32 s19, s18;
	s19 =	spop (v2sf)  }
.Ltmp1:
0x9a: {  	[tilespmem:s18+$0x4000] =	vst.msk vm11, v12;
	s18 =	sadd.s32 s19, s18;
	s19 =	spop (v2sf);
	(pc) =	sbr.rel @p0 .LBB2_4-.Ltmp1, $4  }
0x9b: {  	[tilespmem:s18+$0x4000] =	vst.msk vm12, v14;
	s18 =	sadd.s32 s19, s18;
	s19 =	spop (v2sf)  }
0x9c: {  	[tilespmem:s18+$0x4000] =	vst.msk vm13, v18;
	s18 =	sadd.s32 s19, s18;
	s19 =	spop (v2sf)  }
0x9d: {  	[tilespmem:s18+$0x4000] =	vst.msk vm14, v16;
	s18 =	sadd.s32 s19, s18;
	s19 =	spop (v2sf)  }
0x9e: {  	s21 =	smov.u32 s17;
	[tilespmem:s18+$0x4000] =	vst.msk vm15, v17;
	s18 =	sadd.s32 s19, s18;
	s19 =	spop (v2sf)  }
0x9f: {  	s16 =	sshra.s32 s16, $0x2;
	[tilespmem:s18+$0x4000] =	vst.msk vm0, v3  }
0xa0: {  	v3 =	vld [tilespmem:s16+$0x0]  }
0xa1: {  	v4 =	vld [tilespmem:s16+$0x10]  }
0xa2: {  	v5 =	vld [tilespmem:s16+$0x20]  }
0xa3: {  	v6 =	vld [tilespmem:s16+$0x30]  }
0xa4: {  	v7 =	vld [tilespmem:s16+$0x40]  }
0xa5: {  	v8 =	vld [tilespmem:s16+$0x50];
	vm3 =	vgt.f32 v3, v2  }
0xa6: {  	v9 =	vld [tilespmem:s16+$0x60];
	vm0 =	vgt.f32 v4, v2;
	v10 =	vmpcnt.ones.xlane vm3  }
0xa7: {  	v11 =	vld [tilespmem:s16+$0x70];
	vm1 =	vgt.f32 v5, v2;
	v12 =	vmpcnt.ones.xlane vm0  }
0xa8: {  	v13 =	vld [tilespmem:s16+$0x80];
	vm2 =	vgt.f32 v6, v2;
	v14 =	vmpcnt.ones.xlane vm1;
	(v2sf) =	vpush v10, $0x0  }
0xa9: {  	v51 =	vld [tilespmem:s16+$0x90];
	vm4 =	vgt.f32 v7, v2;
	v15 =	vmpcnt.ones.xlane vm2;
	(v2sf) =	vpush v12, $0x0  }
0xaa: {  	v52 =	vld [tilespmem:s16+$0xA0];
	vm5 =	vgt.f32 v8, v2;
	v16 =	vmpcnt.ones.xlane vm4;
	(v2sf) =	vpush v14, $0x0  }
0xab: {  	v53 =	vld [tilespmem:s16+$0xB0];
	vm6 =	vgt.f32 v9, v2;
	v17 =	vmpcnt.ones.xlane vm5;
	(v2sf) =	vpush v15, $0x0  }
0xac: {  	v54 =	vld [tilespmem:s16+$0xC0];
	vm7 =	vgt.f32 v11, v2;
	v18 =	vmpcnt.ones.xlane vm6;
	(v2sf) =	vpush v16, $0x0  }
0xad: {  	v55 =	vld [tilespmem:s16+$0xD0];
	vm8 =	vgt.f32 v13, v2;
	v19 =	vmpcnt.ones.xlane vm7;
	(v2sf) =	vpush v17, $0x0  }
0xae: {  	v56 =	vld [tilespmem:s16+$0xE0];
	vm9 =	vgt.f32 v51, v2;
	v20 =	vmpcnt.ones.xlane vm8;
	(v2sf) =	vpush v18, $0x0  }
0xaf: {  	v57 =	vld [tilespmem:s16+$0xF0];
	vm12 =	vgt.f32 v52, v2;
	v21 =	vmpcnt.ones.xlane vm9;
	(v2sf) =	vpush v19, $0x0  }
0xb0: {  	vm15 =	vgt.f32 v53, v2;
	v58 =	vmpcnt.ones.xlane vm12;
	(v2sf) =	vpush v20, $0x0  }
0xb1: {  	vm13 =	vgt.f32 v54, v2;
	v59 =	vmpcnt.ones.xlane vm15;
	(v2sf) =	vpush v21, $0x0  }
0xb2: {  	vm14 =	vgt.f32 v55, v2;
	v60 =	vmpcnt.ones.xlane vm13;
	(v2sf) =	vpush v58, $0x0  }
0xb3: {  	vm10 =	vgt.f32 v56, v2;
	v61 =	vmpcnt.ones.xlane vm14;
	(v2sf) =	vpush v59, $0x0  }
0xb4: {  	vm11 =	vgt.f32 v57, v2;
	v62 =	vmpcnt.ones.xlane vm10;
	(v2sf) =	vpush v60, $0x0  }
0xb5: {  	v63 =	vmpcnt.ones.xlane vm11;
	(v2sf) =	vpush v61, $0x0  }
0xb6: {  	(v2sf) =	vpush v62, $0x0  }
0xb7: {  	s31 =	sadd.s32 s19, s18;
	s17 =	spop (v2sf);
	(v2sf) =	vpush v63, $0x0  }
0xb8: {  	s17 =	sadd.s32 s31, s17;
	s23 =	spop (v2sf)  }
0xb9: {  	s18 =	sadd.s32 s23, s17;
	s24 =	spop (v2sf)  }
0xba: {  	s19 =	sadd.s32 s24, s18;
	s20 =	spop (v2sf)  }
0xbb: {  	s20 =	sadd.s32 s20, s19;
	s21 =	spop (v2sf)  }
0xbc: {  	s21 =	sadd.s32 s21, s20;
	s22 =	spop (v2sf)  }
0xbd: {  	s22 =	sadd.s32 s22, s21;
	s23 =	spop (v2sf)  }
0xbe: {  	s23 =	sadd.s32 s23, s22;
	s24 =	spop (v2sf)  }
0xbf: {  	[tilespmem:s31+$0x4000] =	vst.msk vm3, v3;
	s16 =	sadd.s32 s24, s23;
	s25 =	spop (v2sf)  }
0xc0: {  	[tilespmem:s17+$0x4000] =	vst.msk vm0, v4;
	s17 =	sadd.s32 s25, s16;
	s26 =	spop (v2sf)  }
0xc1: {  	[tilespmem:s18+$0x4000] =	vst.msk vm1, v5;
	s18 =	sadd.s32 s26, s17;
	s28 =	spop (v2sf)  }
0xc2: {  	[tilespmem:s19+$0x4000] =	vst.msk vm2, v6;
	s19 =	sadd.s32 s28, s18;
	s29 =	spop (v2sf)  }
0xc3: {  	[tilespmem:s20+$0x4000] =	vst.msk vm4, v7;
	s20 =	sadd.s32 s29, s19;
	s30 =	spop (v2sf)  }
0xc4: {  	[tilespmem:s21+$0x4000] =	vst.msk vm5, v8;
	s21 =	sadd.s32 s30, s20;
	s31 =	spop (v2sf)  }
0xc5: {  	[tilespmem:s22+$0x4000] =	vst.msk vm6, v9;
	s22 =	sadd.s32 s31, s21;
	s25 =	spop (v2sf)  }
0xc6: {  	[tilespmem:s23+$0x4000] =	vst.msk vm7, v11;
	s26 =	sadd.s32 s25, s22;
	s28 =	spop (v2sf)  }
0xc7: {  	[tilespmem:s16+$0x4000] =	vst.msk vm8, v13;
	s24 =	sadd.s32 s28, s26  }
0xc8: {  	[tilespmem:s17+$0x4000] =	vst.msk vm9, v51;
	s29 =	sadd.s32 $0xF, s24  }
0xc9: {  	[tilespmem:s18+$0x4000] =	vst.msk vm12, v52;
	s30 =	sand.u32 $0xF, s29  }
0xca: {  	[tilespmem:s19+$0x4000] =	vst.msk vm15, v53;
	s31 =	sshra.s32 s29, $0x1F;
	p1 =	slt.s32 s29, $0x1;
	p0 =	sne.s32 s30, $0x0  }
.Ltmp2:
0xcb: {  	[tilespmem:s20+$0x4000] =	vst.msk vm13, v54;
	s17 =	sshrl.u32 s31, $0x1C;
	p0 =	por !p1, !p0;
	(pc) =	sbr.rel .LBB2_6-.Ltmp2, $4  }
0xcc: {  	[tilespmem:s21+$0x4000] =	vst.msk vm14, v55;
	s16 =	sadd.s32 s17, s29;
	s17 =	simm.s32 $0x1;
	p0 =	por !p0, !p0  }
0xcd: {  	[tilespmem:s22+$0x4000] =	vst.msk vm10, v56;
	s16 =	sshra.s32 s16, $0x4;
	s17 =	simm.s32 @!p0 $0x0  }
0xce: {  	[tilespmem:s26+$0x4000] =	vst.msk vm11, v57;
	s16 =	ssub.s32 s16, s17  }
0xcf: {  	v3 =	vimm.s32 $0x0;
	[tilespmem:s24+$0x4000] =	vst v0;
	s17 =	simm.s32 $0x0;
	p0 =	slt.s32 s16, $0x1  }
.LBB2_7:
0xd0: {  	v5 =	vimm.s32 $0x0  }
.LBB2_11:
0xd1: {  	(xrf2) =	vadd.scan.msk.f32 $0xffff, v4;
	_ =	sdelay $0x2  }
0xd2: {  	vm0 =	veq.s32 v5, v3  }
0xd3: {  	v2 =	vsel vm0, $0x0, v1  }
0xd4: {  	(xrf0) =	vmax.scan.msk.f32 $0xffff, v2;
	_ =	sdelay $0x4  }
0xd5: {  	v2, _, _ =	vpop (xrf2)  }
0xd6: {  	(v2sf) =	vpush v2, $0xF;
	v2, _, _ =	vpop (xrf0)  }
0xd7: {  	(v2sf) =	vpush v2, $0xF;
	_ =	sdelay $0xa  }
0xd8: {  	v2 =	vcvt.s32.f32 v5;
	_ =	sdelay $0x1  }
0xd9: {  	(erf) = vrcp.f32 v2  }
0xda: {  	s18 =	spop (v2sf)  }
0xdb: {  	s19 =	spop (v2sf)  }
0xdc: {  	p1 =	sgt.f32 s19, $0.0e+00;
	_ =	sdelay $0x1  }
0xdd: {  	p2 =	slt.u32 @p1 s17, $0x1FF  }
0xde: {  	p2 =	por !p1, !p2  }
.Ltmp3:
0xdf: {  	_ = 	snop;
	(pc) =	sbr.rel @p2 .LBB2_12-.Ltmp3, $4  }
0xe0: {  	s18 =	sadd.f32 $-1.000000000e+00, s18  }
0xe1: {  	v2 =	vpop (erf)  }
0xe2: {  	v2 =	vmul.f32 s18, v2  }
0xe3: {  	v3 =	vmov v5;
	s17 =	sadd.s32 $0x1, s17  }
.LBB2_6:
.Ltmp4:
0xe4: {  	(pc) =	sbr.rel @p0 .LBB2_7-.Ltmp4, $2  }
0xe5: {  	_ =	sdelay $0x2  }
0xe6: {  	v4 =	vimm.f32 $0.0e+00;
	s19 =	simm.s32 $0x4000  }
0xe7: {  	v5 =	vld [tilespmem:s19+$0x0];
	p1 =	sne.s32 s16, $0x1  }
.Ltmp5:
0xe8: {  	_ = 	snop;
	(pc) =	sbr.rel @!p1 .LBB2_10-.Ltmp5, $2  }
0xe9: {  	_ =	sdelay $0x2  }
0xea: {  	s18 =	sadd.s32 $0xFFFFFFFF, s16;
	s19 =	sadd.s32 $0x10, s19;
	v6 =	vimm.s32 $0x0;
	vm0 =	vgt.f32 v5, v2  }
.LBB2_9:
0xeb: {  	p1 =	sne.s32 s18, $0x1;
	s18 =	sadd.s32 $0xFFFFFFFF, s18;
	v7 =	vmpcnt.ones.xlane vm0;
	v8 =	vnsel vm0, $0x0, v5;
	v5 =	vld [tilespmem:s19+$0x0]  }
.Ltmp6:
0xec: {  	v4 =	vadd.f32 v8, v4;
	(pc) =	sbr.rel @p1 .LBB2_9-.Ltmp6, $2  }
0xed: {  	v6 =	vadd.s32 v6, v7;
	_ =	sdelay $0x2  }
0xee: {  	s19 =	sadd.s32 $0x10, s19;
	vm0 =	vgt.f32 v5, v2  }
.LBB2_10:
.Ltmp7:
0xef: {  	(pc) =	sbr.rel .LBB2_11-.Ltmp7, $4  }
0xf0: {  	_ = 	snop  }
0xf1: {  	v2 =	vmpcnt.ones.xlane vm0;
	v5 =	vnsel vm0, $0x0, v5  }
0xf2: {  	v4 =	vadd.f32 v5, v4  }
0xf3: {  	v5 =	vadd.s32 v6, v2  }
.LBB2_12:
0xf4: {  	s17 =	simm.s32 $0x0  }
0xf5: {  	s17 =	simm.s32 @p1 $0x0  }
0xf6: {  	s16 =	sshra.s32 s17, $0x2  }
0xf7: {  	v3 =	vld [tilespmem:s16+$0x0]  }
0xf8: {  	v4 =	vld [tilespmem:s16+$0x10];
	_ =	sdelay $0x1  }
0xf9: {  	v5 =	vld [tilespmem:s16+$0x20]  }
0xfa: {  	v6 =	vld [tilespmem:s16+$0x30]  }
0xfb: {  	v3 =	vsub.f32 v3, v2  }
0xfc: {  	v7 =	vld [tilespmem:s16+$0x40];
	v4 =	vsub.f32 v4, v2  }
0xfd: {  	v8 =	vld [tilespmem:s16+$0x50];
	v3 =	vmax.f32 v3, $0.0e+00  }
0xfe: {  	v4 =	vmax.f32 v4, $0.0e+00;
	[tilespmem:s16+$0x0] =	vst v3;
	v3 =	vsub.f32 v5, v2  }
0xff: {  	v9 =	vld [tilespmem:s16+$0x60];
	[tilespmem:s16+$0x10] =	vst v4;
	v4 =	vsub.f32 v6, v2  }
0x100: {  	v10 =	vld [tilespmem:s16+$0x70];
	v3 =	vmax.f32 v3, $0.0e+00  }
0x101: {  	v11 =	vld [tilespmem:s16+$0x80];
	v5 =	vmax.f32 v4, $0.0e+00;
	[tilespmem:s16+$0x20] =	vst v3;
	v3 =	vsub.f32 v7, v2  }
0x102: {  	p0 =	sne.s32 s17, $0x7C00;
	v12 =	vld [tilespmem:s16+$0x90];
	[tilespmem:s16+$0x30] =	vst v5;
	v5 =	vsub.f32 v8, v2  }
.Ltmp8:
0x103: {  	v4 =	vld [tilespmem:s16+$0xA0];
	v6 =	vmax.f32 v3, $0.0e+00;
	(pc) =	sbr.rel @!p0 .LBB2_14-.Ltmp8, $4  }
0x104: {  	v3 =	vld [tilespmem:s16+$0xB0];
	v7 =	vmax.f32 v5, $0.0e+00;
	[tilespmem:s16+$0x40] =	vst v6;
	v6 =	vsub.f32 v9, v2  }
0x105: {  	v5 =	vld [tilespmem:s16+$0xC0];
	[tilespmem:s16+$0x50] =	vst v7;
	v7 =	vsub.f32 v10, v2  }
0x106: {  	v9 =	vsub.f32 v11, v2;
	v8 =	vmax.f32 v6, $0.0e+00;
	v6 =	vld [tilespmem:s16+$0xD0]  }
0x107: {  	s17 =	sadd.s32 $0x400, s17;
	v10 =	vmax.f32 v7, $0.0e+00;
	v7 =	vld [tilespmem:s16+$0xE0];
	[tilespmem:s16+$0x60] =	vst v8;
	v8 =	vsub.f32 v12, v2  }
.LBB2_13:
0x108: {  	s18 =	sshra.s32 s17, $0x2;
	p0 =	sne.s32 s17, $0x7C00;
	[tilespmem:s16+$0x70] =	vst v10;
	v9 =	vmax.f32 v9, $0.0e+00;
	v4 =	vsub.f32 v4, v2;
	v10 =	vld [tilespmem:s16+$0xF0]  }
0x109: {  	v11 =	vld [tilespmem:s18+$0x0];
	[tilespmem:s16+$0x80] =	vst v9;
	v8 =	vmax.f32 v8, $0.0e+00;
	v3 =	vsub.f32 v3, v2  }
0x10a: {  	v9 =	vld [tilespmem:s18+$0x10];
	[tilespmem:s16+$0x90] =	vst v8;
	v4 =	vmax.f32 v4, $0.0e+00;
	v5 =	vsub.f32 v5, v2  }
0x10b: {  	v8 =	vld [tilespmem:s18+$0x20];
	[tilespmem:s16+$0xA0] =	vst v4;
	v3 =	vmax.f32 v3, $0.0e+00;
	v4 =	vsub.f32 v6, v2  }
0x10c: {  	v6 =	vld [tilespmem:s18+$0x30];
	[tilespmem:s16+$0xB0] =	vst v3;
	v3 =	vmax.f32 v5, $0.0e+00;
	v5 =	vsub.f32 v7, v2  }
0x10d: {  	v7 =	vld [tilespmem:s18+$0x40];
	[tilespmem:s16+$0xC0] =	vst v3;
	v3 =	vmax.f32 v4, $0.0e+00;
	v4 =	vsub.f32 v10, v2  }
0x10e: {  	v10 =	vsub.f32 v11, v2;
	v11 =	vld [tilespmem:s18+$0x50];
	[tilespmem:s16+$0xD0] =	vst v3;
	v3 =	vmax.f32 v5, $0.0e+00  }
0x10f: {  	v5 =	vsub.f32 v9, v2;
	v9 =	vld [tilespmem:s18+$0x60];
	[tilespmem:s16+$0xE0] =	vst v3;
	v3 =	vmax.f32 v4, $0.0e+00  }
0x110: {  	v4 =	vmax.f32 v10, $0.0e+00;
	v8 =	vsub.f32 v8, v2;
	v10 =	vld [tilespmem:s18+$0x70];
	[tilespmem:s16+$0xF0] =	vst v3;
	s16 =	smov.u32 s18  }
0x111: {  	[tilespmem:s16+$0x0] =	vst v4;
	v3 =	vmax.f32 v5, $0.0e+00;
	v4 =	vsub.f32 v6, v2;
	v6 =	vld [tilespmem:s16+$0x80]  }
0x112: {  	[tilespmem:s16+$0x10] =	vst v3;
	v3 =	vmax.f32 v8, $0.0e+00;
	v5 =	vsub.f32 v7, v2;
	v7 =	vld [tilespmem:s16+$0x90]  }
.Ltmp9:
0x113: {  	[tilespmem:s16+$0x20] =	vst v3;
	v3 =	vmax.f32 v4, $0.0e+00;
	v8 =	vsub.f32 v11, v2;
	v4 =	vld [tilespmem:s16+$0xA0];
	(pc) =	sbr.rel @p0 .LBB2_13-.Ltmp9, $4  }
0x114: {  	[tilespmem:s16+$0x30] =	vst v3;
	v5 =	vmax.f32 v5, $0.0e+00;
	v9 =	vsub.f32 v9, v2;
	v3 =	vld [tilespmem:s16+$0xB0]  }
0x115: {  	[tilespmem:s16+$0x40] =	vst v5;
	v8 =	vmax.f32 v8, $0.0e+00;
	v10 =	vsub.f32 v10, v2;
	v5 =	vld [tilespmem:s16+$0xC0]  }
0x116: {  	[tilespmem:s16+$0x50] =	vst v8;
	v8 =	vmax.f32 v9, $0.0e+00;
	v9 =	vsub.f32 v6, v2;
	v6 =	vld [tilespmem:s16+$0xD0]  }
0x117: {  	s17 =	sadd.s32 $0x400, s17;
	[tilespmem:s16+$0x60] =	vst v8;
	v10 =	vmax.f32 v10, $0.0e+00;
	v8 =	vsub.f32 v7, v2;
	v7 =	vld [tilespmem:s16+$0xE0]  }
.LBB2_14:
0x118: {  	[tilespmem:s16+$0x70] =	vst v10;
	v9 =	vmax.f32 v9, $0.0e+00;
	v4 =	vsub.f32 v4, v2;
	v10 =	vld [tilespmem:s16+$0xF0]  }
0x119: {  	[tilespmem:s16+$0x80] =	vst v9;
	v8 =	vmax.f32 v8, $0.0e+00;
	v3 =	vsub.f32 v3, v2  }
0x11a: {  	[tilespmem:s16+$0x90] =	vst v8;
	v4 =	vmax.f32 v4, $0.0e+00;
	v5 =	vsub.f32 v5, v2  }
0x11b: {  	[tilespmem:s16+$0xA0] =	vst v4;
	v3 =	vmax.f32 v3, $0.0e+00;
	v4 =	vsub.f32 v6, v2  }
0x11c: {  	[tilespmem:s16+$0xB0] =	vst v3;
	v3 =	vmax.f32 v5, $0.0e+00;
	v5 =	vsub.f32 v7, v2  }
0x11d: {  	[tilespmem:s16+$0xC0] =	vst v3;
	v3 =	vmax.f32 v4, $0.0e+00;
	v2 =	vsub.f32 v10, v2  }
0x11e: {  	[tilespmem:s16+$0xD0] =	vst v3;
	v3 =	vmax.f32 v5, $0.0e+00  }
0x11f: {  	[tilespmem:s16+$0xE0] =	vst v3;
	v2 =	vmax.f32 v2, $0.0e+00  }
0x120: {  	s31 =	simm.s32 $0x0;
	[tilespmem:s16+$0xF0] =	vst v2  }
0x121: {  	[hbm4b:s5+s8] =	stream.strided.scatter [tilespmem:s31], [sflag:$0x3], $0x2000, s9, s8, $0x38;
	[tilespmem:$0x6080] =	vst v63  }
0x122: {  	_ =	swait.ge [sflag:s12], $0x2000  }
0x123: {  	[sflag:s12] =	ssyncset.done $0x0  }
0x124: {  	s18 =	simm.s32 $0x0;
	[sflag:s12] =	ssyncadd.s32 $0xFFFFE000  }
0x125: {  	v2 =	vld [tilespmem:s18+$0x20F0]  }
0x126: {  	v4 =	vld [tilespmem:s18+$0x2000]  }
0x127: {  	v5 =	vld [tilespmem:s18+$0x2010]  }
0x128: {  	v6 =	vld [tilespmem:s18+$0x2020]  }
0x129: {  	v7 =	vld [tilespmem:s18+$0x2030]  }
0x12a: {  	v8 =	vld [tilespmem:s18+$0x2040]  }
0x12b: {  	v9 =	vld [tilespmem:s18+$0x2050]  }
0x12c: {  	v10 =	vld [tilespmem:s18+$0x2060]  }
0x12d: {  	v19 =	vld [tilespmem:s18+$0x2070]  }
0x12e: {  	v22 =	vld [tilespmem:s18+$0x2080]  }
0x12f: {  	v23 =	vld [tilespmem:s18+$0x2090]  }
0x130: {  	v3 =	vimm.f32 $-1.000000020e+30  }
0x131: {  	v20 =	vld [tilespmem:s18+$0x20A0];
	v2 =	vmax.f32 v3, v2;
	v15 =	vmax.f32 v3, v4;
	v16 =	vmax.f32 v3, v5  }
0x132: {  	v18 =	vld [tilespmem:s18+$0x20B0];
	v17 =	vmax.f32 v3, v6;
	v14 =	vmax.f32 v3, v7;
	v13 =	vmax.f32 v3, v8  }
0x133: {  	v21 =	vld [tilespmem:s18+$0x20C0];
	v12 =	vmax.f32 v3, v9;
	v11 =	vmax.f32 v3, v10;
	v10 =	vmax.f32 v3, v19  }
0x134: {  	v9 =	vmax.f32 v3, v22;
	v19 =	vld [tilespmem:s18+$0x20D0];
	v8 =	vmax.f32 v3, v23;
	v6 =	vimm.f32 $-1.000000020e+30  }
0x135: {  	s17 =	simm.s32 $0x800;
	s16 =	simm.s32 $0x100;
	v22 =	vld [tilespmem:s18+$0x20E0];
	v7 =	vimm.f32 $-1.000000020e+30;
	v5 =	vimm.f32 $-1.000000020e+30;
	v4 =	vimm.f32 $-1.000000020e+30  }
.LBB2_15:
0x136: {  	p0 =	sne.s32 s17, $0x7C00;
	v23 =	vld [tilespmem:s16+$0x20F0];
	v3 =	vmax.f32 v3, v20  }
0x137: {  	v20 =	vld [tilespmem:s16+$0x2000];
	v6 =	vmax.f32 v6, v18  }
0x138: {  	v18 =	vld [tilespmem:s16+$0x2010];
	v7 =	vmax.f32 v7, v21  }
0x139: {  	v21 =	vld [tilespmem:s16+$0x2020];
	v5 =	vmax.f32 v5, v19  }
0x13a: {  	v19 =	vld [tilespmem:s16+$0x2030];
	v4 =	vmax.f32 v4, v22  }
0x13b: {  	v22 =	vld [tilespmem:s16+$0x2040];
	v2 =	vmax.f32 v2, v23  }
0x13c: {  	v15 =	vmax.f32 v15, v20;
	v20 =	vld [tilespmem:s16+$0x2050]  }
0x13d: {  	v16 =	vmax.f32 v16, v18;
	v18 =	vld [tilespmem:s16+$0x2060]  }
0x13e: {  	v17 =	vmax.f32 v17, v21;
	v21 =	vld [tilespmem:s16+$0x2070]  }
0x13f: {  	v14 =	vmax.f32 v14, v19;
	v19 =	vld [tilespmem:s16+$0x2080]  }
0x140: {  	v13 =	vmax.f32 v13, v22;
	v22 =	vld [tilespmem:s16+$0x2090]  }
.Ltmp10:
0x141: {  	v12 =	vmax.f32 v12, v20;
	v20 =	vld [tilespmem:s16+$0x20A0];
	(pc) =	sbr.rel @p0 .LBB2_15-.Ltmp10, $4  }
0x142: {  	v11 =	vmax.f32 v11, v18;
	v18 =	vld [tilespmem:s16+$0x20B0]  }
0x143: {  	v10 =	vmax.f32 v10, v21;
	v21 =	vld [tilespmem:s16+$0x20C0]  }
0x144: {  	v9 =	vmax.f32 v9, v19;
	v19 =	vld [tilespmem:s16+$0x20D0]  }
0x145: {  	v8 =	vmax.f32 v8, v22;
	v22 =	vld [tilespmem:s16+$0x20E0];
	s16 =	sshra.s32 s17, $0x2;
	s17 =	sadd.s32 $0x400, s17  }
0x146: {  	v23 =	vld [tilespmem:s16+$0x2000]  }
0x147: {  	v24 =	vld [tilespmem:s16+$0x2010]  }
0x148: {  	v25 =	vld [tilespmem:s16+$0x2020]  }
0x149: {  	v26 =	vld [tilespmem:s16+$0x2030]  }
0x14a: {  	v27 =	vld [tilespmem:s16+$0x2040]  }
0x14b: {  	v28 =	vld [tilespmem:s16+$0x2050]  }
0x14c: {  	v15 =	vmax.f32 v15, v23;
	v16 =	vmax.f32 v16, v24;
	v24 =	vld [tilespmem:s16+$0x2060]  }
0x14d: {  	v29 =	vld [tilespmem:s16+$0x2070];
	v17 =	vmax.f32 v17, v25;
	v15 =	vmax.f32 v15, v16  }
0x14e: {  	v30 =	vld [tilespmem:s16+$0x2080];
	v14 =	vmax.f32 v14, v26;
	v15 =	vmax.f32 v15, v17  }
0x14f: {  	v31 =	vld [tilespmem:s16+$0x2090];
	v13 =	vmax.f32 v13, v27;
	v14 =	vmax.f32 v15, v14  }
0x150: {  	v32 =	vld [tilespmem:s16+$0x20A0];
	v12 =	vmax.f32 v12, v28;
	v13 =	vmax.f32 v14, v13  }
0x151: {  	v33 =	vld [tilespmem:s16+$0x20B0];
	v11 =	vmax.f32 v11, v24;
	v12 =	vmax.f32 v13, v12  }
0x152: {  	v34 =	vld [tilespmem:s16+$0x20C0];
	v10 =	vmax.f32 v10, v29;
	v11 =	vmax.f32 v12, v11  }
0x153: {  	v35 =	vld [tilespmem:s16+$0x20D0];
	v9 =	vmax.f32 v9, v30;
	v10 =	vmax.f32 v11, v10  }
0x154: {  	v3 =	vmax.f32 v3, v20;
	v36 =	vld [tilespmem:s16+$0x20E0];
	v8 =	vmax.f32 v8, v31;
	v9 =	vmax.f32 v10, v9  }
0x155: {  	v37 =	vld [tilespmem:s16+$0x20F0];
	v6 =	vmax.f32 v6, v18;
	v3 =	vmax.f32 v3, v32;
	v8 =	vmax.f32 v9, v8  }
0x156: {  	v7 =	vmax.f32 v7, v21;
	v6 =	vmax.f32 v6, v33;
	v3 =	vmax.f32 v8, v3  }
0x157: {  	v5 =	vmax.f32 v5, v19;
	v7 =	vmax.f32 v7, v34;
	v3 =	vmax.f32 v3, v6  }
0x158: {  	v4 =	vmax.f32 v4, v22;
	v5 =	vmax.f32 v5, v35;
	v3 =	vmax.f32 v3, v7  }
0x159: {  	v4 =	vmax.f32 v4, v36;
	v3 =	vmax.f32 v3, v5  }
0x15a: {  	v2 =	vmax.f32 v2, v37;
	v3 =	vmax.f32 v3, v4  }
0x15b: {  	v2 =	vmax.f32 v3, v2  }
0x15c: {  	(xrf0) =	vmax.scan.msk.f32 $0xffff, v2;
	_ =	sdelay $0x5  }
0x15d: {  	v2, _, _ =	vpop (xrf0)  }
0x15e: {  	(v2sf) =	vpush v2, $0xF;
	_ =	sdelay $0xc  }
0x15f: {  	s29 =	simm.s32 $0x0  }
0x160: {  	v4 =	vld [tilespmem:s29+$0x2000]  }
0x161: {  	v5 =	vld [tilespmem:s29+$0x2010];
	s17 =	spop (v2sf)  }
0x162: {  	v38 =	vld [tilespmem:s29+$0x2020];
	s17 =	sadd.f32 $-1.000000000e+00, s17  }
0x163: {  	v39 =	vld [tilespmem:s29+$0x2030]  }
0x164: {  	v40 =	vld [tilespmem:s29+$0x2040];
	v2 =	vmov s17  }
0x165: {  	v41 =	vld [tilespmem:s29+$0x2050];
	vm4 =	vgt.f32 v4, v2  }
0x166: {  	v42 =	vld [tilespmem:s29+$0x2060];
	vm1 =	vgt.f32 v5, v2;
	v3 =	vmpcnt.ones.xlane vm4  }
0x167: {  	v43 =	vld [tilespmem:s29+$0x2070];
	vm2 =	vgt.f32 v38, v2;
	v44 =	vmpcnt.ones.xlane vm1  }
0x168: {  	v45 =	vld [tilespmem:s29+$0x2080];
	vm3 =	vgt.f32 v39, v2;
	v46 =	vmpcnt.ones.xlane vm2;
	(v2sf) =	vpush v3, $0x0  }
0x169: {  	v47 =	vld [tilespmem:s29+$0x2090];
	vm5 =	vgt.f32 v40, v2;
	v3 =	vmpcnt.ones.xlane vm3;
	(v2sf) =	vpush v44, $0x0  }
0x16a: {  	v48 =	vld [tilespmem:s29+$0x20A0];
	vm6 =	vgt.f32 v41, v2;
	v49 =	vmpcnt.ones.xlane vm5;
	(v2sf) =	vpush v46, $0x0  }
0x16b: {  	v50 =	vld [tilespmem:s29+$0x20B0];
	vm7 =	vgt.f32 v42, v2;
	v51 =	vmpcnt.ones.xlane vm6;
	(v2sf) =	vpush v3, $0x0  }
0x16c: {  	v52 =	vld [tilespmem:s29+$0x20C0];
	vm8 =	vgt.f32 v43, v2;
	v3 =	vmpcnt.ones.xlane vm7;
	(v2sf) =	vpush v49, $0x0  }
0x16d: {  	v53 =	vld [tilespmem:s29+$0x20D0];
	vm9 =	vgt.f32 v45, v2;
	v54 =	vmpcnt.ones.xlane vm8;
	(v2sf) =	vpush v51, $0x0  }
0x16e: {  	v55 =	vld [tilespmem:s29+$0x20E0];
	vm11 =	vgt.f32 v47, v2;
	v56 =	vmpcnt.ones.xlane vm9;
	(v2sf) =	vpush v3, $0x0  }
0x16f: {  	vm13 =	vgt.f32 v48, v2;
	v57 =	vmpcnt.ones.xlane vm11;
	v3 =	vld [tilespmem:s29+$0x20F0];
	(v2sf) =	vpush v54, $0x0  }
0x170: {  	vm14 =	vgt.f32 v50, v2;
	v58 =	vmpcnt.ones.xlane vm13;
	(v2sf) =	vpush v56, $0x0  }
0x171: {  	vm15 =	vgt.f32 v52, v2;
	v59 =	vmpcnt.ones.xlane vm14;
	(v2sf) =	vpush v57, $0x0  }
0x172: {  	vm12 =	vgt.f32 v53, v2;
	v60 =	vmpcnt.ones.xlane vm15;
	(v2sf) =	vpush v58, $0x0  }
0x173: {  	vm10 =	vgt.f32 v55, v2;
	v61 =	vmpcnt.ones.xlane vm12;
	(v2sf) =	vpush v59, $0x0  }
0x174: {  	v62 =	vmpcnt.ones.xlane vm10;
	vm0 =	vgt.f32 v3, v2;
	(v2sf) =	vpush v60, $0x0  }
0x175: {  	v63 =	vmpcnt.ones.xlane vm0;
	(v2sf) =	vpush v61, $0x0  }
0x176: {  	(v2sf) =	vpush v62, $0x0  }
0x177: {  	s30 =	simm.s32 $0x0;
	s31 =	spop (v2sf);
	(v2sf) =	vpush v63, $0x0  }
0x178: {  	[tilespmem:s30+$0x4000] =	vst.msk vm4, v4;
	s17 =	sadd.s32 $0x0, s31;
	s18 =	spop (v2sf)  }
0x179: {  	[tilespmem:s17+$0x4000] =	vst.msk vm1, v5;
	s16 =	sadd.s32 s18, s17;
	s19 =	spop (v2sf)  }
0x17a: {  	[tilespmem:s16+$0x4000] =	vst.msk vm2, v38;
	s16 =	sadd.s32 s19, s16;
	s20 =	spop (v2sf)  }
0x17b: {  	[tilespmem:s16+$0x4000] =	vst.msk vm3, v39;
	s16 =	sadd.s32 s20, s16;
	s21 =	spop (v2sf)  }
0x17c: {  	[tilespmem:s16+$0x4000] =	vst.msk vm5, v40;
	s16 =	sadd.s32 s21, s16;
	s22 =	spop (v2sf)  }
0x17d: {  	[tilespmem:s16+$0x4000] =	vst.msk vm6, v41;
	s16 =	sadd.s32 s22, s16;
	s23 =	spop (v2sf)  }
0x17e: {  	[tilespmem:s16+$0x4000] =	vst.msk vm7, v42;
	s16 =	sadd.s32 s23, s16;
	s24 =	spop (v2sf)  }
0x17f: {  	[tilespmem:s16+$0x4000] =	vst.msk vm8, v43;
	s16 =	sadd.s32 s24, s16;
	s25 =	spop (v2sf)  }
0x180: {  	[tilespmem:s16+$0x4000] =	vst.msk vm9, v45;
	s16 =	sadd.s32 s25, s16;
	s26 =	spop (v2sf)  }
0x181: {  	[tilespmem:s16+$0x4000] =	vst.msk vm11, v47;
	s16 =	sadd.s32 s26, s16;
	s28 =	spop (v2sf)  }
0x182: {  	[tilespmem:s16+$0x4000] =	vst.msk vm13, v48;
	s16 =	sadd.s32 s28, s16;
	s29 =	spop (v2sf)  }
0x183: {  	[tilespmem:s16+$0x4000] =	vst.msk vm14, v50;
	s16 =	sadd.s32 s29, s16;
	s30 =	spop (v2sf)  }
0x184: {  	[tilespmem:s16+$0x4000] =	vst.msk vm15, v52;
	s17 =	sadd.s32 s30, s16;
	s18 =	spop (v2sf)  }
0x185: {  	s21 =	simm.s32 $0x800;
	[tilespmem:s17+$0x4000] =	vst.msk vm12, v53;
	s17 =	sadd.s32 s18, s17;
	s31 =	spop (v2sf)  }
0x186: {  	s16 =	simm.s32 $0x400;
	[tilespmem:s17+$0x4000] =	vst.msk vm10, v55;
	s18 =	sadd.s32 s31, s17;
	s19 =	spop (v2sf)  }
.LBB2_17:
0x187: {  	s20 =	sshra.s32 s16, $0x2  }
0x188: {  	[tilespmem:s18+$0x4000] =	vst.msk vm0, v3;
	s18 =	sadd.s32 s19, s18;
	s16 =	smov.u32 s21;
	s17 =	sadd.s32 $0x400, s21  }
0x189: {  	p0 =	sne.s32 s21, $0x7C00;
	v4 =	vld [tilespmem:s20+$0x2000]  }
0x18a: {  	v5 =	vld [tilespmem:s20+$0x2010]  }
0x18b: {  	v6 =	vld [tilespmem:s20+$0x2020]  }
0x18c: {  	v7 =	vld [tilespmem:s20+$0x2030]  }
0x18d: {  	v8 =	vld [tilespmem:s20+$0x2040]  }
0x18e: {  	v9 =	vld [tilespmem:s20+$0x2050];
	vm4 =	vgt.f32 v4, v2  }
0x18f: {  	v10 =	vld [tilespmem:s20+$0x2060];
	vm1 =	vgt.f32 v5, v2;
	v3 =	vmpcnt.ones.xlane vm4  }
0x190: {  	v11 =	vld [tilespmem:s20+$0x2070];
	vm2 =	vgt.f32 v6, v2;
	v12 =	vmpcnt.ones.xlane vm1  }
0x191: {  	v13 =	vld [tilespmem:s20+$0x2080];
	vm3 =	vgt.f32 v7, v2;
	v14 =	vmpcnt.ones.xlane vm2;
	(v2sf) =	vpush v3, $0x0  }
0x192: {  	v15 =	vld [tilespmem:s20+$0x2090];
	vm5 =	vgt.f32 v8, v2;
	v3 =	vmpcnt.ones.xlane vm3;
	(v2sf) =	vpush v12, $0x0  }
0x193: {  	v12 =	vld [tilespmem:s20+$0x20A0];
	vm6 =	vgt.f32 v9, v2;
	v16 =	vmpcnt.ones.xlane vm5;
	(v2sf) =	vpush v14, $0x0  }
0x194: {  	v14 =	vld [tilespmem:s20+$0x20B0];
	vm7 =	vgt.f32 v10, v2;
	v17 =	vmpcnt.ones.xlane vm6;
	(v2sf) =	vpush v3, $0x0  }
0x195: {  	v18 =	vld [tilespmem:s20+$0x20C0];
	vm8 =	vgt.f32 v11, v2;
	v3 =	vmpcnt.ones.xlane vm7;
	(v2sf) =	vpush v16, $0x0  }
0x196: {  	v16 =	vld [tilespmem:s20+$0x20D0];
	vm9 =	vgt.f32 v13, v2;
	v19 =	vmpcnt.ones.xlane vm8;
	(v2sf) =	vpush v17, $0x0  }
0x197: {  	v17 =	vld [tilespmem:s20+$0x20E0];
	vm10 =	vgt.f32 v15, v2;
	v20 =	vmpcnt.ones.xlane vm9;
	(v2sf) =	vpush v3, $0x0  }
0x198: {  	v3 =	vld [tilespmem:s20+$0x20F0];
	vm11 =	vgt.f32 v12, v2;
	v21 =	vmpcnt.ones.xlane vm10;
	(v2sf) =	vpush v19, $0x0  }
0x199: {  	vm12 =	vgt.f32 v14, v2;
	v19 =	vmpcnt.ones.xlane vm11;
	(v2sf) =	vpush v20, $0x0  }
0x19a: {  	vm13 =	vgt.f32 v18, v2;
	v20 =	vmpcnt.ones.xlane vm12;
	(v2sf) =	vpush v21, $0x0  }
0x19b: {  	vm14 =	vgt.f32 v16, v2;
	v21 =	vmpcnt.ones.xlane vm13;
	(v2sf) =	vpush v19, $0x0  }
0x19c: {  	vm15 =	vgt.f32 v17, v2;
	v19 =	vmpcnt.ones.xlane vm14;
	(v2sf) =	vpush v20, $0x0  }
0x19d: {  	vm0 =	vgt.f32 v3, v2;
	v20 =	vmpcnt.ones.xlane vm15;
	(v2sf) =	vpush v21, $0x0  }
0x19e: {  	v21 =	vmpcnt.ones.xlane vm0;
	(v2sf) =	vpush v19, $0x0  }
0x19f: {  	(v2sf) =	vpush v20, $0x0  }
0x1a0: {  	s19 =	spop (v2sf);
	(v2sf) =	vpush v21, $0x0  }
0x1a1: {  	[tilespmem:s18+$0x4000] =	vst.msk vm4, v4;
	s18 =	sadd.s32 s18, s19;
	s19 =	spop (v2sf)  }
0x1a2: {  	[tilespmem:s18+$0x4000] =	vst.msk vm1, v5;
	s18 =	sadd.s32 s19, s18;
	s19 =	spop (v2sf)  }
0x1a3: {  	[tilespmem:s18+$0x4000] =	vst.msk vm2, v6;
	s18 =	sadd.s32 s19, s18;
	s19 =	spop (v2sf)  }
0x1a4: {  	[tilespmem:s18+$0x4000] =	vst.msk vm3, v7;
	s18 =	sadd.s32 s19, s18;
	s19 =	spop (v2sf)  }
0x1a5: {  	[tilespmem:s18+$0x4000] =	vst.msk vm5, v8;
	s18 =	sadd.s32 s19, s18;
	s19 =	spop (v2sf)  }
0x1a6: {  	[tilespmem:s18+$0x4000] =	vst.msk vm6, v9;
	s18 =	sadd.s32 s19, s18;
	s19 =	spop (v2sf)  }
0x1a7: {  	[tilespmem:s18+$0x4000] =	vst.msk vm7, v10;
	s18 =	sadd.s32 s19, s18;
	s19 =	spop (v2sf)  }
0x1a8: {  	[tilespmem:s18+$0x4000] =	vst.msk vm8, v11;
	s18 =	sadd.s32 s19, s18;
	s19 =	spop (v2sf)  }
0x1a9: {  	[tilespmem:s18+$0x4000] =	vst.msk vm9, v13;
	s18 =	sadd.s32 s19, s18;
	s19 =	spop (v2sf)  }
0x1aa: {  	[tilespmem:s18+$0x4000] =	vst.msk vm10, v15;
	s18 =	sadd.s32 s19, s18;
	s19 =	spop (v2sf)  }
.Ltmp11:
0x1ab: {  	[tilespmem:s18+$0x4000] =	vst.msk vm11, v12;
	s18 =	sadd.s32 s19, s18;
	s19 =	spop (v2sf);
	(pc) =	sbr.rel @p0 .LBB2_17-.Ltmp11, $4  }
0x1ac: {  	[tilespmem:s18+$0x4000] =	vst.msk vm12, v14;
	s18 =	sadd.s32 s19, s18;
	s19 =	spop (v2sf)  }
0x1ad: {  	[tilespmem:s18+$0x4000] =	vst.msk vm13, v18;
	s18 =	sadd.s32 s19, s18;
	s19 =	spop (v2sf)  }
0x1ae: {  	[tilespmem:s18+$0x4000] =	vst.msk vm14, v16;
	s18 =	sadd.s32 s19, s18;
	s19 =	spop (v2sf)  }
0x1af: {  	s21 =	smov.u32 s17;
	[tilespmem:s18+$0x4000] =	vst.msk vm15, v17;
	s18 =	sadd.s32 s19, s18;
	s19 =	spop (v2sf)  }
0x1b0: {  	s16 =	sshra.s32 s16, $0x2;
	[tilespmem:s18+$0x4000] =	vst.msk vm0, v3  }
0x1b1: {  	v3 =	vld [tilespmem:s16+$0x2000]  }
0x1b2: {  	v4 =	vld [tilespmem:s16+$0x2010]  }
0x1b3: {  	v5 =	vld [tilespmem:s16+$0x2020]  }
0x1b4: {  	v6 =	vld [tilespmem:s16+$0x2030]  }
0x1b5: {  	v7 =	vld [tilespmem:s16+$0x2040]  }
0x1b6: {  	v8 =	vld [tilespmem:s16+$0x2050];
	vm3 =	vgt.f32 v3, v2  }
0x1b7: {  	v9 =	vld [tilespmem:s16+$0x2060];
	vm0 =	vgt.f32 v4, v2;
	v10 =	vmpcnt.ones.xlane vm3  }
0x1b8: {  	v11 =	vld [tilespmem:s16+$0x2070];
	vm1 =	vgt.f32 v5, v2;
	v12 =	vmpcnt.ones.xlane vm0  }
0x1b9: {  	v13 =	vld [tilespmem:s16+$0x2080];
	vm2 =	vgt.f32 v6, v2;
	v14 =	vmpcnt.ones.xlane vm1;
	(v2sf) =	vpush v10, $0x0  }
0x1ba: {  	v51 =	vld [tilespmem:s16+$0x2090];
	vm4 =	vgt.f32 v7, v2;
	v15 =	vmpcnt.ones.xlane vm2;
	(v2sf) =	vpush v12, $0x0  }
0x1bb: {  	v52 =	vld [tilespmem:s16+$0x20A0];
	vm5 =	vgt.f32 v8, v2;
	v16 =	vmpcnt.ones.xlane vm4;
	(v2sf) =	vpush v14, $0x0  }
0x1bc: {  	v53 =	vld [tilespmem:s16+$0x20B0];
	vm6 =	vgt.f32 v9, v2;
	v17 =	vmpcnt.ones.xlane vm5;
	(v2sf) =	vpush v15, $0x0  }
0x1bd: {  	v54 =	vld [tilespmem:s16+$0x20C0];
	vm7 =	vgt.f32 v11, v2;
	v18 =	vmpcnt.ones.xlane vm6;
	(v2sf) =	vpush v16, $0x0  }
0x1be: {  	v55 =	vld [tilespmem:s16+$0x20D0];
	vm8 =	vgt.f32 v13, v2;
	v19 =	vmpcnt.ones.xlane vm7;
	(v2sf) =	vpush v17, $0x0  }
0x1bf: {  	v56 =	vld [tilespmem:s16+$0x20E0];
	vm9 =	vgt.f32 v51, v2;
	v20 =	vmpcnt.ones.xlane vm8;
	(v2sf) =	vpush v18, $0x0  }
0x1c0: {  	v57 =	vld [tilespmem:s16+$0x20F0];
	vm12 =	vgt.f32 v52, v2;
	v21 =	vmpcnt.ones.xlane vm9;
	(v2sf) =	vpush v19, $0x0  }
0x1c1: {  	vm15 =	vgt.f32 v53, v2;
	v58 =	vmpcnt.ones.xlane vm12;
	(v2sf) =	vpush v20, $0x0  }
0x1c2: {  	vm13 =	vgt.f32 v54, v2;
	v59 =	vmpcnt.ones.xlane vm15;
	(v2sf) =	vpush v21, $0x0  }
0x1c3: {  	vm14 =	vgt.f32 v55, v2;
	v60 =	vmpcnt.ones.xlane vm13;
	(v2sf) =	vpush v58, $0x0  }
0x1c4: {  	vm10 =	vgt.f32 v56, v2;
	v61 =	vmpcnt.ones.xlane vm14;
	(v2sf) =	vpush v59, $0x0  }
0x1c5: {  	vm11 =	vgt.f32 v57, v2;
	v62 =	vmpcnt.ones.xlane vm10;
	(v2sf) =	vpush v60, $0x0  }
0x1c6: {  	v63 =	vmpcnt.ones.xlane vm11;
	(v2sf) =	vpush v61, $0x0  }
0x1c7: {  	(v2sf) =	vpush v62, $0x0  }
0x1c8: {  	s31 =	sadd.s32 s19, s18;
	s17 =	spop (v2sf);
	(v2sf) =	vpush v63, $0x0  }
0x1c9: {  	s17 =	sadd.s32 s31, s17;
	s23 =	spop (v2sf)  }
0x1ca: {  	s18 =	sadd.s32 s23, s17;
	s24 =	spop (v2sf)  }
0x1cb: {  	s19 =	sadd.s32 s24, s18;
	s20 =	spop (v2sf)  }
0x1cc: {  	s20 =	sadd.s32 s20, s19;
	s21 =	spop (v2sf)  }
0x1cd: {  	s21 =	sadd.s32 s21, s20;
	s22 =	spop (v2sf)  }
0x1ce: {  	s22 =	sadd.s32 s22, s21;
	s23 =	spop (v2sf)  }
0x1cf: {  	s23 =	sadd.s32 s23, s22;
	s24 =	spop (v2sf)  }
0x1d0: {  	[tilespmem:s31+$0x4000] =	vst.msk vm3, v3;
	s16 =	sadd.s32 s24, s23;
	s25 =	spop (v2sf)  }
0x1d1: {  	[tilespmem:s17+$0x4000] =	vst.msk vm0, v4;
	s17 =	sadd.s32 s25, s16;
	s26 =	spop (v2sf)  }
0x1d2: {  	[tilespmem:s18+$0x4000] =	vst.msk vm1, v5;
	s18 =	sadd.s32 s26, s17;
	s28 =	spop (v2sf)  }
0x1d3: {  	[tilespmem:s19+$0x4000] =	vst.msk vm2, v6;
	s19 =	sadd.s32 s28, s18;
	s29 =	spop (v2sf)  }
0x1d4: {  	[tilespmem:s20+$0x4000] =	vst.msk vm4, v7;
	s20 =	sadd.s32 s29, s19;
	s30 =	spop (v2sf)  }
0x1d5: {  	[tilespmem:s21+$0x4000] =	vst.msk vm5, v8;
	s21 =	sadd.s32 s30, s20;
	s31 =	spop (v2sf)  }
0x1d6: {  	[tilespmem:s22+$0x4000] =	vst.msk vm6, v9;
	s22 =	sadd.s32 s31, s21;
	s25 =	spop (v2sf)  }
0x1d7: {  	[tilespmem:s23+$0x4000] =	vst.msk vm7, v11;
	s26 =	sadd.s32 s25, s22;
	s28 =	spop (v2sf)  }
0x1d8: {  	[tilespmem:s16+$0x4000] =	vst.msk vm8, v13;
	s24 =	sadd.s32 s28, s26  }
0x1d9: {  	[tilespmem:s17+$0x4000] =	vst.msk vm9, v51;
	s29 =	sadd.s32 $0xF, s24  }
0x1da: {  	[tilespmem:s18+$0x4000] =	vst.msk vm12, v52;
	s30 =	sand.u32 $0xF, s29  }
0x1db: {  	[tilespmem:s19+$0x4000] =	vst.msk vm15, v53;
	s31 =	sshra.s32 s29, $0x1F;
	p1 =	slt.s32 s29, $0x1;
	p0 =	sne.s32 s30, $0x0  }
.Ltmp12:
0x1dc: {  	[tilespmem:s20+$0x4000] =	vst.msk vm13, v54;
	s17 =	sshrl.u32 s31, $0x1C;
	p0 =	por !p1, !p0;
	(pc) =	sbr.rel .LBB2_19-.Ltmp12, $4  }
0x1dd: {  	[tilespmem:s21+$0x4000] =	vst.msk vm14, v55;
	s16 =	sadd.s32 s17, s29;
	s17 =	simm.s32 $0x1;
	p0 =	por !p0, !p0  }
0x1de: {  	[tilespmem:s22+$0x4000] =	vst.msk vm10, v56;
	s16 =	sshra.s32 s16, $0x4;
	s17 =	simm.s32 @!p0 $0x0  }
0x1df: {  	[tilespmem:s26+$0x4000] =	vst.msk vm11, v57;
	s16 =	ssub.s32 s16, s17  }
0x1e0: {  	v3 =	vimm.s32 $0x0;
	[tilespmem:s24+$0x4000] =	vst v0;
	s17 =	simm.s32 $0x0;
	p0 =	slt.s32 s16, $0x1  }
.LBB2_20:
0x1e1: {  	v5 =	vimm.s32 $0x0  }
.LBB2_24:
0x1e2: {  	(xrf2) =	vadd.scan.msk.f32 $0xffff, v4;
	_ =	sdelay $0x2  }
0x1e3: {  	vm0 =	veq.s32 v5, v3  }
0x1e4: {  	v2 =	vsel vm0, $0x0, v1  }
0x1e5: {  	(xrf0) =	vmax.scan.msk.f32 $0xffff, v2;
	_ =	sdelay $0x4  }
0x1e6: {  	v2, _, _ =	vpop (xrf2)  }
0x1e7: {  	(v2sf) =	vpush v2, $0xF;
	v2, _, _ =	vpop (xrf0)  }
0x1e8: {  	(v2sf) =	vpush v2, $0xF;
	_ =	sdelay $0xa  }
0x1e9: {  	v2 =	vcvt.s32.f32 v5;
	_ =	sdelay $0x1  }
0x1ea: {  	(erf) = vrcp.f32 v2  }
0x1eb: {  	s18 =	spop (v2sf)  }
0x1ec: {  	s19 =	spop (v2sf)  }
0x1ed: {  	p1 =	sgt.f32 s19, $0.0e+00;
	_ =	sdelay $0x1  }
0x1ee: {  	p2 =	slt.u32 @p1 s17, $0x1FF  }
0x1ef: {  	p2 =	por !p1, !p2  }
.Ltmp13:
0x1f0: {  	_ = 	snop;
	(pc) =	sbr.rel @p2 .LBB2_25-.Ltmp13, $4  }
0x1f1: {  	s18 =	sadd.f32 $-1.000000000e+00, s18  }
0x1f2: {  	v2 =	vpop (erf)  }
0x1f3: {  	v2 =	vmul.f32 s18, v2  }
0x1f4: {  	v3 =	vmov v5;
	s17 =	sadd.s32 $0x1, s17  }
.LBB2_19:
.Ltmp14:
0x1f5: {  	(pc) =	sbr.rel @p0 .LBB2_20-.Ltmp14, $2  }
0x1f6: {  	_ =	sdelay $0x2  }
0x1f7: {  	v4 =	vimm.f32 $0.0e+00;
	s19 =	simm.s32 $0x4000  }
0x1f8: {  	v5 =	vld [tilespmem:s19+$0x0];
	p1 =	sne.s32 s16, $0x1  }
.Ltmp15:
0x1f9: {  	_ = 	snop;
	(pc) =	sbr.rel @!p1 .LBB2_23-.Ltmp15, $2  }
0x1fa: {  	_ =	sdelay $0x2  }
0x1fb: {  	s18 =	sadd.s32 $0xFFFFFFFF, s16;
	s19 =	sadd.s32 $0x10, s19;
	v6 =	vimm.s32 $0x0;
	vm0 =	vgt.f32 v5, v2  }
.LBB2_22:
0x1fc: {  	p1 =	sne.s32 s18, $0x1;
	s18 =	sadd.s32 $0xFFFFFFFF, s18;
	v7 =	vmpcnt.ones.xlane vm0;
	v8 =	vnsel vm0, $0x0, v5;
	v5 =	vld [tilespmem:s19+$0x0]  }
.Ltmp16:
0x1fd: {  	v4 =	vadd.f32 v8, v4;
	(pc) =	sbr.rel @p1 .LBB2_22-.Ltmp16, $2  }
0x1fe: {  	v6 =	vadd.s32 v6, v7;
	_ =	sdelay $0x2  }
0x1ff: {  	s19 =	sadd.s32 $0x10, s19;
	vm0 =	vgt.f32 v5, v2  }
.LBB2_23:
.Ltmp17:
0x200: {  	(pc) =	sbr.rel .LBB2_24-.Ltmp17, $4  }
0x201: {  	_ = 	snop  }
0x202: {  	v2 =	vmpcnt.ones.xlane vm0;
	v5 =	vnsel vm0, $0x0, v5  }
0x203: {  	v4 =	vadd.f32 v5, v4  }
0x204: {  	v5 =	vadd.s32 v6, v2  }
.LBB2_25:
0x205: {  	s17 =	simm.s32 $0x0  }
0x206: {  	s17 =	simm.s32 @p1 $0x0  }
0x207: {  	s16 =	sshra.s32 s17, $0x2  }
0x208: {  	v3 =	vld [tilespmem:s16+$0x2000]  }
0x209: {  	v4 =	vld [tilespmem:s16+$0x2010];
	_ =	sdelay $0x1  }
0x20a: {  	v5 =	vld [tilespmem:s16+$0x2020]  }
0x20b: {  	v6 =	vld [tilespmem:s16+$0x2030]  }
0x20c: {  	v3 =	vsub.f32 v3, v2  }
0x20d: {  	v7 =	vld [tilespmem:s16+$0x2040];
	v4 =	vsub.f32 v4, v2  }
0x20e: {  	v8 =	vld [tilespmem:s16+$0x2050];
	v3 =	vmax.f32 v3, $0.0e+00  }
0x20f: {  	v4 =	vmax.f32 v4, $0.0e+00;
	[tilespmem:s16+$0x2000] =	vst v3;
	v3 =	vsub.f32 v5, v2  }
0x210: {  	v9 =	vld [tilespmem:s16+$0x2060];
	[tilespmem:s16+$0x2010] =	vst v4;
	v4 =	vsub.f32 v6, v2  }
0x211: {  	v10 =	vld [tilespmem:s16+$0x2070];
	v3 =	vmax.f32 v3, $0.0e+00  }
0x212: {  	v11 =	vld [tilespmem:s16+$0x2080];
	v5 =	vmax.f32 v4, $0.0e+00;
	[tilespmem:s16+$0x2020] =	vst v3;
	v3 =	vsub.f32 v7, v2  }
0x213: {  	p0 =	sne.s32 s17, $0x7C00;
	v12 =	vld [tilespmem:s16+$0x2090];
	[tilespmem:s16+$0x2030] =	vst v5;
	v5 =	vsub.f32 v8, v2  }
.Ltmp18:
0x214: {  	v4 =	vld [tilespmem:s16+$0x20A0];
	v6 =	vmax.f32 v3, $0.0e+00;
	(pc) =	sbr.rel @!p0 .LBB2_27-.Ltmp18, $4  }
0x215: {  	v3 =	vld [tilespmem:s16+$0x20B0];
	v7 =	vmax.f32 v5, $0.0e+00;
	[tilespmem:s16+$0x2040] =	vst v6;
	v6 =	vsub.f32 v9, v2  }
0x216: {  	v5 =	vld [tilespmem:s16+$0x20C0];
	[tilespmem:s16+$0x2050] =	vst v7;
	v7 =	vsub.f32 v10, v2  }
0x217: {  	v9 =	vsub.f32 v11, v2;
	v8 =	vmax.f32 v6, $0.0e+00;
	v6 =	vld [tilespmem:s16+$0x20D0]  }
0x218: {  	s17 =	sadd.s32 $0x400, s17;
	v10 =	vmax.f32 v7, $0.0e+00;
	v7 =	vld [tilespmem:s16+$0x20E0];
	[tilespmem:s16+$0x2060] =	vst v8;
	v8 =	vsub.f32 v12, v2  }
.LBB2_26:
0x219: {  	s18 =	sshra.s32 s17, $0x2;
	p0 =	sne.s32 s17, $0x7C00;
	[tilespmem:s16+$0x2070] =	vst v10;
	v9 =	vmax.f32 v9, $0.0e+00;
	v4 =	vsub.f32 v4, v2;
	v10 =	vld [tilespmem:s16+$0x20F0]  }
0x21a: {  	v11 =	vld [tilespmem:s18+$0x2000];
	[tilespmem:s16+$0x2080] =	vst v9;
	v8 =	vmax.f32 v8, $0.0e+00;
	v3 =	vsub.f32 v3, v2  }
0x21b: {  	v9 =	vld [tilespmem:s18+$0x2010];
	[tilespmem:s16+$0x2090] =	vst v8;
	v4 =	vmax.f32 v4, $0.0e+00;
	v5 =	vsub.f32 v5, v2  }
0x21c: {  	v8 =	vld [tilespmem:s18+$0x2020];
	[tilespmem:s16+$0x20A0] =	vst v4;
	v3 =	vmax.f32 v3, $0.0e+00;
	v4 =	vsub.f32 v6, v2  }
0x21d: {  	v6 =	vld [tilespmem:s18+$0x2030];
	[tilespmem:s16+$0x20B0] =	vst v3;
	v3 =	vmax.f32 v5, $0.0e+00;
	v5 =	vsub.f32 v7, v2  }
0x21e: {  	v7 =	vld [tilespmem:s18+$0x2040];
	[tilespmem:s16+$0x20C0] =	vst v3;
	v3 =	vmax.f32 v4, $0.0e+00;
	v4 =	vsub.f32 v10, v2  }
0x21f: {  	v10 =	vsub.f32 v11, v2;
	v11 =	vld [tilespmem:s18+$0x2050];
	[tilespmem:s16+$0x20D0] =	vst v3;
	v3 =	vmax.f32 v5, $0.0e+00  }
0x220: {  	v5 =	vsub.f32 v9, v2;
	v9 =	vld [tilespmem:s18+$0x2060];
	[tilespmem:s16+$0x20E0] =	vst v3;
	v3 =	vmax.f32 v4, $0.0e+00  }
0x221: {  	v4 =	vmax.f32 v10, $0.0e+00;
	v8 =	vsub.f32 v8, v2;
	v10 =	vld [tilespmem:s18+$0x2070];
	[tilespmem:s16+$0x20F0] =	vst v3;
	s16 =	smov.u32 s18  }
0x222: {  	[tilespmem:s16+$0x2000] =	vst v4;
	v3 =	vmax.f32 v5, $0.0e+00;
	v4 =	vsub.f32 v6, v2;
	v6 =	vld [tilespmem:s16+$0x2080]  }
0x223: {  	[tilespmem:s16+$0x2010] =	vst v3;
	v3 =	vmax.f32 v8, $0.0e+00;
	v5 =	vsub.f32 v7, v2;
	v7 =	vld [tilespmem:s16+$0x2090]  }
.Ltmp19:
0x224: {  	[tilespmem:s16+$0x2020] =	vst v3;
	v3 =	vmax.f32 v4, $0.0e+00;
	v8 =	vsub.f32 v11, v2;
	v4 =	vld [tilespmem:s16+$0x20A0];
	(pc) =	sbr.rel @p0 .LBB2_26-.Ltmp19, $4  }
0x225: {  	[tilespmem:s16+$0x2030] =	vst v3;
	v5 =	vmax.f32 v5, $0.0e+00;
	v9 =	vsub.f32 v9, v2;
	v3 =	vld [tilespmem:s16+$0x20B0]  }
0x226: {  	[tilespmem:s16+$0x2040] =	vst v5;
	v8 =	vmax.f32 v8, $0.0e+00;
	v10 =	vsub.f32 v10, v2;
	v5 =	vld [tilespmem:s16+$0x20C0]  }
0x227: {  	[tilespmem:s16+$0x2050] =	vst v8;
	v8 =	vmax.f32 v9, $0.0e+00;
	v9 =	vsub.f32 v6, v2;
	v6 =	vld [tilespmem:s16+$0x20D0]  }
0x228: {  	s17 =	sadd.s32 $0x400, s17;
	[tilespmem:s16+$0x2060] =	vst v8;
	v10 =	vmax.f32 v10, $0.0e+00;
	v8 =	vsub.f32 v7, v2;
	v7 =	vld [tilespmem:s16+$0x20E0]  }
.LBB2_27:
0x229: {  	[tilespmem:s16+$0x2070] =	vst v10;
	v9 =	vmax.f32 v9, $0.0e+00;
	v4 =	vsub.f32 v4, v2;
	v61 =	vld [tilespmem:s16+$0x20F0]  }
0x22a: {  	[tilespmem:s16+$0x2080] =	vst v9;
	v8 =	vmax.f32 v8, $0.0e+00;
	v3 =	vsub.f32 v3, v2  }
0x22b: {  	[tilespmem:s16+$0x2090] =	vst v8;
	v4 =	vmax.f32 v4, $0.0e+00;
	v5 =	vsub.f32 v5, v2  }
0x22c: {  	[tilespmem:s16+$0x20A0] =	vst v4;
	v3 =	vmax.f32 v3, $0.0e+00;
	v62 =	vsub.f32 v6, v2  }
0x22d: {  	[tilespmem:s16+$0x20B0] =	vst v3;
	v3 =	vmax.f32 v5, $0.0e+00;
	v63 =	vsub.f32 v7, v2  }
0x22e: {  	[tilespmem:s16+$0x20C0] =	vst v3;
	v3 =	vmax.f32 v62, $0.0e+00;
	v2 =	vsub.f32 v61, v2  }
0x22f: {  	[tilespmem:s16+$0x20D0] =	vst v3;
	v3 =	vmax.f32 v63, $0.0e+00  }
0x230: {  	[tilespmem:s16+$0x20E0] =	vst v3;
	v2 =	vmax.f32 v2, $0.0e+00  }
0x231: {  	s15 =	sadd.s32 $0x1, s15;
	[tilespmem:s16+$0x20F0] =	vst v2  }
0x232: {  	[hbm4b:s6+s8] =	stream.strided.scatter [tilespmem:s10], [sflag:$0x4], $0x2000, s9, s8, $0x38;
	[tilespmem:$0x6080] =	vst v63  }
0x233: {  	p0 =	sne.s32 s15, s7;
	_ =	swait.ge [sflag:s13], $0x2000  }
.Ltmp20:
0x234: {  	[sflag:s13] =	ssyncset.done $0x0;
	(pc) =	sbr.rel @p0 .LBB2_1-.Ltmp20, $4  }
0x235: {  	[sflag:s13] =	ssyncadd.s32 $0xFFFFE000  }
0x236: {  	_ =	swait.ge [sflag:s14], $0x2000  }
0x237: {  	[sflag:s14] =	ssyncset.done $0x0  }
0x238: {  	[sflag:s14] =	ssyncadd.s32 $0xFFFFE000  }
0x239: {  	_ =	sfence.sel $0x180000  }
0x23a: {  	[bflag:$0x0] =	sbarrier.arrive $0xFFFF  }
0x23b: {  	p0 =	sne.s32 s1, $0x0;
	_ =	strace $0x90000047  }
0x23c: {  	s0 =	sadd.s32 @!p0 $0x100000, s0;
	[bflag:$0x2] =	sbarrier.arrive $0xFFFF  }
0x23d: {  	[sflag:s0] =	ssyncadd.tile.s32 @!p0 $0x1;
	_ =	shalt  }
.Lfunc_end2:
_tile_overlayer_lowered:
.L_overlay_start_2:
0x23e: {  	(tag) =	ssettag $0x2  }
0x23f: {  	s0 =	rddreg [dreg:$0x0];
	s2 =	stileid.u32  }
0x240: {  	s1 =	rddreg [dreg:$0x1];
	p0 =	sne.s32 s2, $0x0  }
0x241: {  	s3 =	rddreg [dreg:$0x2];
	[bflag:$0x3] =	sbarrier.arrive $0xFFFF;
	s2 =	simm.s32 @!p0 $0x1C05  }
0x242: {  	[timem:s3], [sflag:s2] =	dma.local @!p0 [hbm:s0], s1  }
0x243: {  	s0 =	simm.s32 @!p0 $0x5  }
0x244: {  	_ =	swait.ge @!p0 [sflag:s0], s1  }
0x245: {  	s1 =	ssub.s32 @!p0 $0x0, s1;
	[sflag:s0] =	ssyncset.done @!p0 $0x0  }
0x246: {  	[sflag:s0] =	ssyncadd.s32 @!p0 s1  }
0x247: {  	[bflag:$0x3] =	sbarrier.arrive $0xFFFF  }
0x248: {  	_ =	shalt  }

</sc_bundles>
